<compile_context>
chip_gen: v7x
topology: tpu7x:2x2x1
jax: 0.10.2.dev20260603
libtpu: 0.0.44.dev20260713+nightly
codegen_flags: <defaults>
</compile_context>

<pallas_src>
import functools

import jax
import jax.numpy as jnp
from jax import lax
from jax.experimental import pallas as pl
from jax.experimental.pallas import tpu as pltpu
from jax.experimental.pallas import tpu_sc as plsc

_BATCH = 16384
_SEQ = 20
_B = _BATCH * _SEQ
_D = 32
_NC = 2
_NS = 16
_NW = _NC * _NS
_BPW = _B // _NW
_C = 1024
_NCHUNK = _BPW // _C


def _make_gather():
    mesh = plsc.VectorSubcoreMesh(core_axis_name="c", subcore_axis_name="s")

    @functools.partial(
        pl.kernel,
        mesh=mesh,
        compiler_params=pltpu.CompilerParams(use_tc_tiling_on_sc=False),
        out_type=jax.ShapeDtypeStruct((_B, _D), jnp.float32),
        scratch_types=[
            pltpu.VMEM((_BPW,), jnp.int32),
            pltpu.VMEM((2, _C, _D), jnp.float32),
            pltpu.SemaphoreType.DMA,
            pltpu.SemaphoreType.DMA,
        ],
    )
    def gather_kernel(idx_hbm, table_hbm, out_hbm, idx_v, rows_v, sem0, sem1):
        wid = lax.axis_index("s") * _NC + lax.axis_index("c")
        base = wid * _BPW
        pltpu.sync_copy(idx_hbm.at[pl.ds(base, _BPW)], idx_v)
        sems = (sem0, sem1)

        def start(i, b):
            return pltpu.async_copy(
                table_hbm.at[idx_v.at[pl.ds(i * _C, _C)]],
                rows_v.at[b],
                sems[b],
            )

        inflight = [start(0, 0), None]
        for i in range(_NCHUNK):
            b = i % 2
            inflight[b].wait()
            if i + 1 < _NCHUNK:
                inflight[1 - b] = start(i + 1, 1 - b)
            pltpu.sync_copy(rows_v.at[b], out_hbm.at[pl.ds(base + i * _C, _C)])

    return gather_kernel


_gather = _make_gather()


def kernel(x, word_embedding):
    idx = x.reshape(_B).astype(jnp.int32)
    out = _gather(idx, word_embedding)
    return out.reshape(x.shape[0], x.shape[1], _D)

# --- scband reference (transcript-rebuilt; emitter-appended) ---
"""Pipeline reference for scband-base-decoder-29317446763170 (READ-ONLY COPY).

The authoritative reference and input builder live on the scoring server;
editing this copy changes nothing except your own understanding.
"""

import jax, jax.numpy as jnp
import numpy as np

VOCAB_SIZE = 1000000
EMB_DIM = 32
BATCH = 16384
SEQ_LEN = 20

def setup_inputs(seed: int = 0) -> dict:
    key = jax.random.key(seed)
    k_idx, k_tab = jax.random.split(key)
    x = jax.random.randint(k_idx, (BATCH, SEQ_LEN), 0, VOCAB_SIZE, dtype=jnp.int64 if jax.config.jax_enable_x64 else jnp.int32)
    word_embedding = jax.random.normal(k_tab, (VOCAB_SIZE, EMB_DIM), dtype=jnp.float32)
    return {"x": x, "word_embedding": word_embedding}

def reference(x, word_embedding):
    # word embedding lookup (the core op of BaseDecoder: self.word_embedding(x))
    emb = jnp.take(word_embedding, x, axis=0)
    # in_dropout in eval mode is identity (deterministic reference)
    out = emb
    return out

if __name__ == "__main__":
    import jax
    _d = setup_inputs()
    print(jax.jit(kernel)(*tuple(_d.values())))

</pallas_src>

<mosaic_0001>
#map = affine_map<(d0, d1) -> (0)>
#map1 = affine_map<(d0, d1) -> (0, 0)>
module attributes {stable_mosaic.version = 14 : i64} {
  func.func @gather_kernel(%arg0: i32, %arg1: i32, %arg2: memref<327680xi32, #tpu.memory_space<hbm>>, %arg3: memref<1000000x32xf32, #tpu.memory_space<hbm>>, %arg4: memref<327680x32xf32, #tpu.memory_space<hbm>>, %arg5: memref<10240xi32, #tpu.memory_space<vmem>>, %arg6: memref<2x1024x32xf32, #tpu.memory_space<vmem>>, %arg7: memref<!tpu.dma_semaphore, #tpu.memory_space<semaphore_mem>>, %arg8: memref<!tpu.dma_semaphore, #tpu.memory_space<semaphore_mem>>) attributes {dimension_semantics = [#tpu.dimension_semantics<core_parallel>, #tpu.dimension_semantics<subcore_parallel>], iteration_bounds = array<i64: 2, 16>, scalar_prefetch = 0 : i64, scratch_operands = 4 : i64, tpu.core_type = #tpu.core_type<sc_vector_subcore>, window_params = [{transform_indices = #map}, {transform_indices = #map1}, {transform_indices = #map1}]} {
    %mul3A = arith.constant 2 : i32
    %mul3A_0 = arith.muli %arg1, %mul3A : i32
    %add3A = arith.addi %mul3A_0, %arg0 : i32
    %mul3A_1 = arith.constant 10240 : i32
    %mul3A_2 = arith.muli %add3A, %mul3A_1 : i32
    "tpu.region"() ({
      %run_scoped3A_230 = tpu.sem_alloc : memref<!tpu.dma_semaphore, #tpu.memory_space<semaphore_mem>>
      %dma_start3A_231 = tpu.memref_slice %arg2[%mul3A_2] : memref<327680xi32, #tpu.memory_space<hbm>> -> memref<10240xi32, #tpu.memory_space<hbm>>
      %dma_start3A_232 = tpu.memref_slice %arg2[%mul3A_2] : memref<327680xi32, #tpu.memory_space<hbm>> -> memref<10240xi32, #tpu.memory_space<hbm>>
      tpu.enqueue_dma source(%dma_start3A_232 : memref<10240xi32, #tpu.memory_space<hbm>>) target(%arg5 : memref<10240xi32, #tpu.memory_space<vmem>>) target_semaphore(%run_scoped3A_230 : memref<!tpu.dma_semaphore, #tpu.memory_space<semaphore_mem>>)
      %dma_wait3A_233 = tpu.memref_slice %arg2[%mul3A_2] : memref<327680xi32, #tpu.memory_space<hbm>> -> memref<10240xi32, #tpu.memory_space<hbm>>
      %dma_wait3A_234 = tpu.memref_slice %arg2[%mul3A_2] : memref<327680xi32, #tpu.memory_space<hbm>> -> memref<10240xi32, #tpu.memory_space<hbm>>
      tpu.wait_dma2 semaphore(%run_scoped3A_230 : memref<!tpu.dma_semaphore, #tpu.memory_space<semaphore_mem>>) src(%dma_wait3A_234 : memref<10240xi32, #tpu.memory_space<hbm>>) dst(%arg5 : memref<10240xi32, #tpu.memory_space<vmem>>)
      tpu.yield
    }) : () -> ()
    %dma_start3A = arith.constant 0 : i32
    %dma_start3A_3 = arith.constant 0 : i32
    %dma_start3A_4 = arith.constant 0 : i32
    %dma_start3A_5 = tpu.memref_slice %arg6[%dma_start3A, %dma_start3A_3, %dma_start3A_4] : memref<2x1024x32xf32, #tpu.memory_space<vmem>> -> memref<1x1024x32xf32, #tpu.memory_space<vmem>>
    %dma_start3A_6 = tpu.memref_squeeze %dma_start3A_5 : memref<1x1024x32xf32, #tpu.memory_space<vmem>> -> memref<1024x32xf32, #tpu.memory_space<vmem>>
    %dma_start3A_7 = arith.constant 0 : i32
    %dma_start3A_8 = tpu.memref_slice %arg5[%dma_start3A_7] : memref<10240xi32, #tpu.memory_space<vmem>> -> memref<1024xi32, #tpu.memory_space<vmem>>
    %dma_start3A_9 = arith.constant 0 : i32
    %dma_start3A_10 = arith.constant 0 : i32
    %dma_start3A_11 = tpu.memref_slice %arg3[%dma_start3A_9, %dma_start3A_10] : memref<1000000x32xf32, #tpu.memory_space<hbm>> -> memref<1000000x32xf32, #tpu.memory_space<hbm>>
    tpu.enqueue_indirect_dma source(%dma_start3A_11 : memref<1000000x32xf32, #tpu.memory_space<hbm>>) target(%dma_start3A_6 : memref<1024x32xf32, #tpu.memory_space<vmem>>) offsets(%dma_start3A_8 : memref<1024xi32, #tpu.memory_space<vmem>>) semaphore(%arg7 : memref<!tpu.dma_semaphore, #tpu.memory_space<semaphore_mem>>)
    %dma_wait3A = arith.constant 0 : i32
    %dma_wait3A_12 = arith.constant 0 : i32
    %dma_wait3A_13 = arith.constant 0 : i32
    %dma_wait3A_14 = tpu.memref_slice %arg6[%dma_wait3A, %dma_wait3A_12, %dma_wait3A_13] : memref<2x1024x32xf32, #tpu.memory_space<vmem>> -> memref<1x1024x32xf32, #tpu.memory_space<vmem>>
    %dma_wait3A_15 = tpu.memref_squeeze %dma_wait3A_14 : memref<1x1024x32xf32, #tpu.memory_space<vmem>> -> memref<1024x32xf32, #tpu.memory_space<vmem>>
    %dma_wait3A_16 = arith.constant 0 : i32
    %dma_wait3A_17 = tpu.memref_slice %arg5[%dma_wait3A_16] : memref<10240xi32, #tpu.memory_space<vmem>> -> memref<1024xi32, #tpu.memory_space<vmem>>
    %dma_wait3A_18 = arith.constant 0 : i32
    %dma_wait3A_19 = arith.constant 0 : i32
    %dma_wait3A_20 = tpu.memref_slice %arg3[%dma_wait3A_18, %dma_wait3A_19] : memref<1000000x32xf32, #tpu.memory_space<hbm>> -> memref<1000000x32xf32, #tpu.memory_space<hbm>>
    tpu.wait_indirect_dma semaphore(%arg7 : memref<!tpu.dma_semaphore, #tpu.memory_space<semaphore_mem>>) src(%dma_wait3A_20 : memref<1000000x32xf32, #tpu.memory_space<hbm>>) dst(%dma_wait3A_15 : memref<1024x32xf32, #tpu.memory_space<vmem>>)
    %dma_start3A_21 = arith.constant 1 : i32
    %dma_start3A_22 = arith.constant 0 : i32
    %dma_start3A_23 = arith.constant 0 : i32
    %dma_start3A_24 = tpu.memref_slice %arg6[%dma_start3A_21, %dma_start3A_22, %dma_start3A_23] : memref<2x1024x32xf32, #tpu.memory_space<vmem>> -> memref<1x1024x32xf32, #tpu.memory_space<vmem>>
    %dma_start3A_25 = tpu.memref_squeeze %dma_start3A_24 : memref<1x1024x32xf32, #tpu.memory_space<vmem>> -> memref<1024x32xf32, #tpu.memory_space<vmem>>
    %dma_start3A_26 = arith.constant 1024 : i32
    %dma_start3A_27 = tpu.memref_slice %arg5[%dma_start3A_26] : memref<10240xi32, #tpu.memory_space<vmem>> -> memref<1024xi32, #tpu.memory_space<vmem>>
    %dma_start3A_28 = arith.constant 0 : i32
    %dma_start3A_29 = arith.constant 0 : i32
    %dma_start3A_30 = tpu.memref_slice %arg3[%dma_start3A_28, %dma_start3A_29] : memref<1000000x32xf32, #tpu.memory_space<hbm>> -> memref<1000000x32xf32, #tpu.memory_space<hbm>>
    tpu.enqueue_indirect_dma source(%dma_start3A_30 : memref<1000000x32xf32, #tpu.memory_space<hbm>>) target(%dma_start3A_25 : memref<1024x32xf32, #tpu.memory_space<vmem>>) offsets(%dma_start3A_27 : memref<1024xi32, #tpu.memory_space<vmem>>) semaphore(%arg8 : memref<!tpu.dma_semaphore, #tpu.memory_space<semaphore_mem>>)
    %add3A_31 = arith.constant 0 : i32
    %add3A_32 = arith.addi %mul3A_2, %add3A_31 : i32
    %run_scoped3A = arith.constant 0 : i32
    "tpu.region"() ({
      %run_scoped3A_230 = tpu.sem_alloc : memref<!tpu.dma_semaphore, #tpu.memory_space<semaphore_mem>>
      %dma_start3A_231 = arith.constant 0 : i32
      %dma_start3A_232 = arith.constant 0 : i32
      %dma_start3A_233 = tpu.memref_slice %arg6[%run_scoped3A, %dma_start3A_231, %dma_start3A_232] : memref<2x1024x32xf32, #tpu.memory_space<vmem>> -> memref<1x1024x32xf32, #tpu.memory_space<vmem>>
      %dma_start3A_234 = tpu.memref_squeeze %dma_start3A_233 : memref<1x1024x32xf32, #tpu.memory_space<vmem>> -> memref<1024x32xf32, #tpu.memory_space<vmem>>
      %dma_start3A_235 = arith.constant 0 : i32
      %dma_start3A_236 = tpu.memref_slice %arg4[%add3A_32, %dma_start3A_235] : memref<327680x32xf32, #tpu.memory_space<hbm>> -> memref<1024x32xf32, #tpu.memory_space<hbm>>
      %dma_start3A_237 = arith.constant 0 : i32
      %dma_start3A_238 = tpu.memref_slice %arg4[%add3A_32, %dma_start3A_237] : memref<327680x32xf32, #tpu.memory_space<hbm>> -> memref<1024x32xf32, #tpu.memory_space<hbm>>
      %dma_start3A_239 = arith.constant 0 : i32
      %dma_start3A_240 = arith.constant 0 : i32
      %dma_start3A_241 = tpu.memref_slice %arg6[%run_scoped3A, %dma_start3A_239, %dma_start3A_240] : memref<2x1024x32xf32, #tpu.memory_space<vmem>> -> memref<1x1024x32xf32, #tpu.memory_space<vmem>>
      %dma_start3A_242 = tpu.memref_squeeze %dma_start3A_241 : memref<1x1024x32xf32, #tpu.memory_space<vmem>> -> memref<1024x32xf32, #tpu.memory_space<vmem>>
      tpu.enqueue_dma source(%dma_start3A_242 : memref<1024x32xf32, #tpu.memory_space<vmem>>) target(%dma_start3A_238 : memref<1024x32xf32, #tpu.memory_space<hbm>>) target_semaphore(%run_scoped3A_230 : memref<!tpu.dma_semaphore, #tpu.memory_space<semaphore_mem>>)
      %dma_wait3A_243 = arith.constant 0 : i32
      %dma_wait3A_244 = arith.constant 0 : i32
      %dma_wait3A_245 = tpu.memref_slice %arg6[%run_scoped3A, %dma_wait3A_243, %dma_wait3A_244] : memref<2x1024x32xf32, #tpu.memory_space<vmem>> -> memref<1x1024x32xf32, #tpu.memory_space<vmem>>
      %dma_wait3A_246 = tpu.memref_squeeze %dma_wait3A_245 : memref<1x1024x32xf32, #tpu.memory_space<vmem>> -> memref<1024x32xf32, #tpu.memory_space<vmem>>
      %dma_wait3A_247 = arith.constant 0 : i32
      %dma_wait3A_248 = tpu.memref_slice %arg4[%add3A_32, %dma_wait3A_247] : memref<327680x32xf32, #tpu.memory_space<hbm>> -> memref<1024x32xf32, #tpu.memory_space<hbm>>
      %dma_wait3A_249 = arith.constant 0 : i32
      %dma_wait3A_250 = tpu.memref_slice %arg4[%add3A_32, %dma_wait3A_249] : memref<327680x32xf32, #tpu.memory_space<hbm>> -> memref<1024x32xf32, #tpu.memory_space<hbm>>
      %dma_wait3A_251 = arith.constant 0 : i32
      %dma_wait3A_252 = arith.constant 0 : i32
      %dma_wait3A_253 = tpu.memref_slice %arg6[%run_scoped3A, %dma_wait3A_251, %dma_wait3A_252] : memref<2x1024x32xf32, #tpu.memory_space<vmem>> -> memref<1x1024x32xf32, #tpu.memory_space<vmem>>
      %dma_wait3A_254 = tpu.memref_squeeze %dma_wait3A_253 : memref<1x1024x32xf32, #tpu.memory_space<vmem>> -> memref<1024x32xf32, #tpu.memory_space<vmem>>
      tpu.wait_dma2 semaphore(%run_scoped3A_230 : memref<!tpu.dma_semaphore, #tpu.memory_space<semaphore_mem>>) src(%dma_wait3A_254 : memref<1024x32xf32, #tpu.memory_space<vmem>>) dst(%dma_wait3A_250 : memref<1024x32xf32, #tpu.memory_space<hbm>>)
      tpu.yield
    }) : () -> ()
    %dma_wait3A_33 = arith.constant 1 : i32
    %dma_wait3A_34 = arith.constant 0 : i32
    %dma_wait3A_35 = arith.constant 0 : i32
    %dma_wait3A_36 = tpu.memref_slice %arg6[%dma_wait3A_33, %dma_wait3A_34, %dma_wait3A_35] : memref<2x1024x32xf32, #tpu.memory_space<vmem>> -> memref<1x1024x32xf32, #tpu.memory_space<vmem>>
    %dma_wait3A_37 = tpu.memref_squeeze %dma_wait3A_36 : memref<1x1024x32xf32, #tpu.memory_space<vmem>> -> memref<1024x32xf32, #tpu.memory_space<vmem>>
    %dma_wait3A_38 = arith.constant 1024 : i32
    %dma_wait3A_39 = tpu.memref_slice %arg5[%dma_wait3A_38] : memref<10240xi32, #tpu.memory_space<vmem>> -> memref<1024xi32, #tpu.memory_space<vmem>>
    %dma_wait3A_40 = arith.constant 0 : i32
    %dma_wait3A_41 = arith.constant 0 : i32
    %dma_wait3A_42 = tpu.memref_slice %arg3[%dma_wait3A_40, %dma_wait3A_41] : memref<1000000x32xf32, #tpu.memory_space<hbm>> -> memref<1000000x32xf32, #tpu.memory_space<hbm>>
    tpu.wait_indirect_dma semaphore(%arg8 : memref<!tpu.dma_semaphore, #tpu.memory_space<semaphore_mem>>) src(%dma_wait3A_42 : memref<1000000x32xf32, #tpu.memory_space<hbm>>) dst(%dma_wait3A_37 : memref<1024x32xf32, #tpu.memory_space<vmem>>)
    %dma_start3A_43 = arith.constant 0 : i32
    %dma_start3A_44 = arith.constant 0 : i32
    %dma_start3A_45 = arith.constant 0 : i32
    %dma_start3A_46 = tpu.memref_slice %arg6[%dma_start3A_43, %dma_start3A_44, %dma_start3A_45] : memref<2x1024x32xf32, #tpu.memory_space<vmem>> -> memref<1x1024x32xf32, #tpu.memory_space<vmem>>
    %dma_start3A_47 = tpu.memref_squeeze %dma_start3A_46 : memref<1x1024x32xf32, #tpu.memory_space<vmem>> -> memref<1024x32xf32, #tpu.memory_space<vmem>>
    %dma_start3A_48 = arith.constant 2048 : i32
    %dma_start3A_49 = tpu.memref_slice %arg5[%dma_start3A_48] : memref<10240xi32, #tpu.memory_space<vmem>> -> memref<1024xi32, #tpu.memory_space<vmem>>
    %dma_start3A_50 = arith.constant 0 : i32
    %dma_start3A_51 = arith.constant 0 : i32
    %dma_start3A_52 = tpu.memref_slice %arg3[%dma_start3A_50, %dma_start3A_51] : memref<1000000x32xf32, #tpu.memory_space<hbm>> -> memref<1000000x32xf32, #tpu.memory_space<hbm>>
    tpu.enqueue_indirect_dma source(%dma_start3A_52 : memref<1000000x32xf32, #tpu.memory_space<hbm>>) target(%dma_start3A_47 : memref<1024x32xf32, #tpu.memory_space<vmem>>) offsets(%dma_start3A_49 : memref<1024xi32, #tpu.memory_space<vmem>>) semaphore(%arg7 : memref<!tpu.dma_semaphore, #tpu.memory_space<semaphore_mem>>)
    %add3A_53 = arith.constant 1024 : i32
    %add3A_54 = arith.addi %mul3A_2, %add3A_53 : i32
    %run_scoped3A_55 = arith.constant 1 : i32
    "tpu.region"() ({
      %run_scoped3A_230 = tpu.sem_alloc : memref<!tpu.dma_semaphore, #tpu.memory_space<semaphore_mem>>
      %dma_start3A_231 = arith.constant 0 : i32
      %dma_start3A_232 = arith.constant 0 : i32
      %dma_start3A_233 = tpu.memref_slice %arg6[%run_scoped3A_55, %dma_start3A_231, %dma_start3A_232] : memref<2x1024x32xf32, #tpu.memory_space<vmem>> -> memref<1x1024x32xf32, #tpu.memory_space<vmem>>
      %dma_start3A_234 = tpu.memref_squeeze %dma_start3A_233 : memref<1x1024x32xf32, #tpu.memory_space<vmem>> -> memref<1024x32xf32, #tpu.memory_space<vmem>>
      %dma_start3A_235 = arith.constant 0 : i32
      %dma_start3A_236 = tpu.memref_slice %arg4[%add3A_54, %dma_start3A_235] : memref<327680x32xf32, #tpu.memory_space<hbm>> -> memref<1024x32xf32, #tpu.memory_space<hbm>>
      %dma_start3A_237 = arith.constant 0 : i32
      %dma_start3A_238 = tpu.memref_slice %arg4[%add3A_54, %dma_start3A_237] : memref<327680x32xf32, #tpu.memory_space<hbm>> -> memref<1024x32xf32, #tpu.memory_space<hbm>>
      %dma_start3A_239 = arith.constant 0 : i32
      %dma_start3A_240 = arith.constant 0 : i32
      %dma_start3A_241 = tpu.memref_slice %arg6[%run_scoped3A_55, %dma_start3A_239, %dma_start3A_240] : memref<2x1024x32xf32, #tpu.memory_space<vmem>> -> memref<1x1024x32xf32, #tpu.memory_space<vmem>>
      %dma_start3A_242 = tpu.memref_squeeze %dma_start3A_241 : memref<1x1024x32xf32, #tpu.memory_space<vmem>> -> memref<1024x32xf32, #tpu.memory_space<vmem>>
      tpu.enqueue_dma source(%dma_start3A_242 : memref<1024x32xf32, #tpu.memory_space<vmem>>) target(%dma_start3A_238 : memref<1024x32xf32, #tpu.memory_space<hbm>>) target_semaphore(%run_scoped3A_230 : memref<!tpu.dma_semaphore, #tpu.memory_space<semaphore_mem>>)
      %dma_wait3A_243 = arith.constant 0 : i32
      %dma_wait3A_244 = arith.constant 0 : i32
      %dma_wait3A_245 = tpu.memref_slice %arg6[%run_scoped3A_55, %dma_wait3A_243, %dma_wait3A_244] : memref<2x1024x32xf32, #tpu.memory_space<vmem>> -> memref<1x1024x32xf32, #tpu.memory_space<vmem>>
      %dma_wait3A_246 = tpu.memref_squeeze %dma_wait3A_245 : memref<1x1024x32xf32, #tpu.memory_space<vmem>> -> memref<1024x32xf32, #tpu.memory_space<vmem>>
      %dma_wait3A_247 = arith.constant 0 : i32
      %dma_wait3A_248 = tpu.memref_slice %arg4[%add3A_54, %dma_wait3A_247] : memref<327680x32xf32, #tpu.memory_space<hbm>> -> memref<1024x32xf32, #tpu.memory_space<hbm>>
      %dma_wait3A_249 = arith.constant 0 : i32
      %dma_wait3A_250 = tpu.memref_slice %arg4[%add3A_54, %dma_wait3A_249] : memref<327680x32xf32, #tpu.memory_space<hbm>> -> memref<1024x32xf32, #tpu.memory_space<hbm>>
      %dma_wait3A_251 = arith.constant 0 : i32
      %dma_wait3A_252 = arith.constant 0 : i32
      %dma_wait3A_253 = tpu.memref_slice %arg6[%run_scoped3A_55, %dma_wait3A_251, %dma_wait3A_252] : memref<2x1024x32xf32, #tpu.memory_space<vmem>> -> memref<1x1024x32xf32, #tpu.memory_space<vmem>>
      %dma_wait3A_254 = tpu.memref_squeeze %dma_wait3A_253 : memref<1x1024x32xf32, #tpu.memory_space<vmem>> -> memref<1024x32xf32, #tpu.memory_space<vmem>>
      tpu.wait_dma2 semaphore(%run_scoped3A_230 : memref<!tpu.dma_semaphore, #tpu.memory_space<semaphore_mem>>) src(%dma_wait3A_254 : memref<1024x32xf32, #tpu.memory_space<vmem>>) dst(%dma_wait3A_250 : memref<1024x32xf32, #tpu.memory_space<hbm>>)
      tpu.yield
    }) : () -> ()
    %dma_wait3A_56 = arith.constant 0 : i32
    %dma_wait3A_57 = arith.constant 0 : i32
    %dma_wait3A_58 = arith.constant 0 : i32
    %dma_wait3A_59 = tpu.memref_slice %arg6[%dma_wait3A_56, %dma_wait3A_57, %dma_wait3A_58] : memref<2x1024x32xf32, #tpu.memory_space<vmem>> -> memref<1x1024x32xf32, #tpu.memory_space<vmem>>
    %dma_wait3A_60 = tpu.memref_squeeze %dma_wait3A_59 : memref<1x1024x32xf32, #tpu.memory_space<vmem>> -> memref<1024x32xf32, #tpu.memory_space<vmem>>
    %dma_wait3A_61 = arith.constant 2048 : i32
    %dma_wait3A_62 = tpu.memref_slice %arg5[%dma_wait3A_61] : memref<10240xi32, #tpu.memory_space<vmem>> -> memref<1024xi32, #tpu.memory_space<vmem>>
    %dma_wait3A_63 = arith.constant 0 : i32
    %dma_wait3A_64 = arith.constant 0 : i32
    %dma_wait3A_65 = tpu.memref_slice %arg3[%dma_wait3A_63, %dma_wait3A_64] : memref<1000000x32xf32, #tpu.memory_space<hbm>> -> memref<1000000x32xf32, #tpu.memory_space<hbm>>
    tpu.wait_indirect_dma semaphore(%arg7 : memref<!tpu.dma_semaphore, #tpu.memory_space<semaphore_mem>>) src(%dma_wait3A_65 : memref<1000000x32xf32, #tpu.memory_space<hbm>>) dst(%dma_wait3A_60 : memref<1024x32xf32, #tpu.memory_space<vmem>>)
    %dma_start3A_66 = arith.constant 1 : i32
    %dma_start3A_67 = arith.constant 0 : i32
    %dma_start3A_68 = arith.constant 0 : i32
    %dma_start3A_69 = tpu.memref_slice %arg6[%dma_start3A_66, %dma_start3A_67, %dma_start3A_68] : memref<2x1024x32xf32, #tpu.memory_space<vmem>> -> memref<1x1024x32xf32, #tpu.memory_space<vmem>>
    %dma_start3A_70 = tpu.memref_squeeze %dma_start3A_69 : memref<1x1024x32xf32, #tpu.memory_space<vmem>> -> memref<1024x32xf32, #tpu.memory_space<vmem>>
    %dma_start3A_71 = arith.constant 3072 : i32
    %dma_start3A_72 = tpu.memref_slice %arg5[%dma_start3A_71] : memref<10240xi32, #tpu.memory_space<vmem>> -> memref<1024xi32, #tpu.memory_space<vmem>>
    %dma_start3A_73 = arith.constant 0 : i32
    %dma_start3A_74 = arith.constant 0 : i32
    %dma_start3A_75 = tpu.memref_slice %arg3[%dma_start3A_73, %dma_start3A_74] : memref<1000000x32xf32, #tpu.memory_space<hbm>> -> memref<1000000x32xf32, #tpu.memory_space<hbm>>
    tpu.enqueue_indirect_dma source(%dma_start3A_75 : memref<1000000x32xf32, #tpu.memory_space<hbm>>) target(%dma_start3A_70 : memref<1024x32xf32, #tpu.memory_space<vmem>>) offsets(%dma_start3A_72 : memref<1024xi32, #tpu.memory_space<vmem>>) semaphore(%arg8 : memref<!tpu.dma_semaphore, #tpu.memory_space<semaphore_mem>>)
    %add3A_76 = arith.constant 2048 : i32
    %add3A_77 = arith.addi %mul3A_2, %add3A_76 : i32
    %run_scoped3A_78 = arith.constant 0 : i32
    "tpu.region"() ({
      %run_scoped3A_230 = tpu.sem_alloc : memref<!tpu.dma_semaphore, #tpu.memory_space<semaphore_mem>>
      %dma_start3A_231 = arith.constant 0 : i32
      %dma_start3A_232 = arith.constant 0 : i32
      %dma_start3A_233 = tpu.memref_slice %arg6[%run_scoped3A_78, %dma_start3A_231, %dma_start3A_232] : memref<2x1024x32xf32, #tpu.memory_space<vmem>> -> memref<1x1024x32xf32, #tpu.memory_space<vmem>>
      %dma_start3A_234 = tpu.memref_squeeze %dma_start3A_233 : memref<1x1024x32xf32, #tpu.memory_space<vmem>> -> memref<1024x32xf32, #tpu.memory_space<vmem>>
      %dma_start3A_235 = arith.constant 0 : i32
      %dma_start3A_236 = tpu.memref_slice %arg4[%add3A_77, %dma_start3A_235] : memref<327680x32xf32, #tpu.memory_space<hbm>> -> memref<1024x32xf32, #tpu.memory_space<hbm>>
      %dma_start3A_237 = arith.constant 0 : i32
      %dma_start3A_238 = tpu.memref_slice %arg4[%add3A_77, %dma_start3A_237] : memref<327680x32xf32, #tpu.memory_space<hbm>> -> memref<1024x32xf32, #tpu.memory_space<hbm>>
      %dma_start3A_239 = arith.constant 0 : i32
      %dma_start3A_240 = arith.constant 0 : i32
      %dma_start3A_241 = tpu.memref_slice %arg6[%run_scoped3A_78, %dma_start3A_239, %dma_start3A_240] : memref<2x1024x32xf32, #tpu.memory_space<vmem>> -> memref<1x1024x32xf32, #tpu.memory_space<vmem>>
      %dma_start3A_242 = tpu.memref_squeeze %dma_start3A_241 : memref<1x1024x32xf32, #tpu.memory_space<vmem>> -> memref<1024x32xf32, #tpu.memory_space<vmem>>
      tpu.enqueue_dma source(%dma_start3A_242 : memref<1024x32xf32, #tpu.memory_space<vmem>>) target(%dma_start3A_238 : memref<1024x32xf32, #tpu.memory_space<hbm>>) target_semaphore(%run_scoped3A_230 : memref<!tpu.dma_semaphore, #tpu.memory_space<semaphore_mem>>)
      %dma_wait3A_243 = arith.constant 0 : i32
      %dma_wait3A_244 = arith.constant 0 : i32
      %dma_wait3A_245 = tpu.memref_slice %arg6[%run_scoped3A_78, %dma_wait3A_243, %dma_wait3A_244] : memref<2x1024x32xf32, #tpu.memory_space<vmem>> -> memref<1x1024x32xf32, #tpu.memory_space<vmem>>
      %dma_wait3A_246 = tpu.memref_squeeze %dma_wait3A_245 : memref<1x1024x32xf32, #tpu.memory_space<vmem>> -> memref<1024x32xf32, #tpu.memory_space<vmem>>
      %dma_wait3A_247 = arith.constant 0 : i32
      %dma_wait3A_248 = tpu.memref_slice %arg4[%add3A_77, %dma_wait3A_247] : memref<327680x32xf32, #tpu.memory_space<hbm>> -> memref<1024x32xf32, #tpu.memory_space<hbm>>
      %dma_wait3A_249 = arith.constant 0 : i32
      %dma_wait3A_250 = tpu.memref_slice %arg4[%add3A_77, %dma_wait3A_249] : memref<327680x32xf32, #tpu.memory_space<hbm>> -> memref<1024x32xf32, #tpu.memory_space<hbm>>
      %dma_wait3A_251 = arith.constant 0 : i32
      %dma_wait3A_252 = arith.constant 0 : i32
      %dma_wait3A_253 = tpu.memref_slice %arg6[%run_scoped3A_78, %dma_wait3A_251, %dma_wait3A_252] : memref<2x1024x32xf32, #tpu.memory_space<vmem>> -> memref<1x1024x32xf32, #tpu.memory_space<vmem>>
      %dma_wait3A_254 = tpu.memref_squeeze %dma_wait3A_253 : memref<1x1024x32xf32, #tpu.memory_space<vmem>> -> memref<1024x32xf32, #tpu.memory_space<vmem>>
      tpu.wait_dma2 semaphore(%run_scoped3A_230 : memref<!tpu.dma_semaphore, #tpu.memory_space<semaphore_mem>>) src(%dma_wait3A_254 : memref<1024x32xf32, #tpu.memory_space<vmem>>) dst(%dma_wait3A_250 : memref<1024x32xf32, #tpu.memory_space<hbm>>)
      tpu.yield
    }) : () -> ()
    %dma_wait3A_79 = arith.constant 1 : i32
    %dma_wait3A_80 = arith.constant 0 : i32
    %dma_wait3A_81 = arith.constant 0 : i32
    %dma_wait3A_82 = tpu.memref_slice %arg6[%dma_wait3A_79, %dma_wait3A_80, %dma_wait3A_81] : memref<2x1024x32xf32, #tpu.memory_space<vmem>> -> memref<1x1024x32xf32, #tpu.memory_space<vmem>>
    %dma_wait3A_83 = tpu.memref_squeeze %dma_wait3A_82 : memref<1x1024x32xf32, #tpu.memory_space<vmem>> -> memref<1024x32xf32, #tpu.memory_space<vmem>>
    %dma_wait3A_84 = arith.constant 3072 : i32
    %dma_wait3A_85 = tpu.memref_slice %arg5[%dma_wait3A_84] : memref<10240xi32, #tpu.memory_space<vmem>> -> memref<1024xi32, #tpu.memory_space<vmem>>
    %dma_wait3A_86 = arith.constant 0 : i32
    %dma_wait3A_87 = arith.constant 0 : i32
    %dma_wait3A_88 = tpu.memref_slice %arg3[%dma_wait3A_86, %dma_wait3A_87] : memref<1000000x32xf32, #tpu.memory_space<hbm>> -> memref<1000000x32xf32, #tpu.memory_space<hbm>>
    tpu.wait_indirect_dma semaphore(%arg8 : memref<!tpu.dma_semaphore, #tpu.memory_space<semaphore_mem>>) src(%dma_wait3A_88 : memref<1000000x32xf32, #tpu.memory_space<hbm>>) dst(%dma_wait3A_83 : memref<1024x32xf32, #tpu.memory_space<vmem>>)
    %dma_start3A_89 = arith.constant 0 : i32
    %dma_start3A_90 = arith.constant 0 : i32
    %dma_start3A_91 = arith.constant 0 : i32
    %dma_start3A_92 = tpu.memref_slice %arg6[%dma_start3A_89, %dma_start3A_90, %dma_start3A_91] : memref<2x1024x32xf32, #tpu.memory_space<vmem>> -> memref<1x1024x32xf32, #tpu.memory_space<vmem>>
    %dma_start3A_93 = tpu.memref_squeeze %dma_start3A_92 : memref<1x1024x32xf32, #tpu.memory_space<vmem>> -> memref<1024x32xf32, #tpu.memory_space<vmem>>
    %dma_start3A_94 = arith.constant 4096 : i32
    %dma_start3A_95 = tpu.memref_slice %arg5[%dma_start3A_94] : memref<10240xi32, #tpu.memory_space<vmem>> -> memref<1024xi32, #tpu.memory_space<vmem>>
    %dma_start3A_96 = arith.constant 0 : i32
    %dma_start3A_97 = arith.constant 0 : i32
    %dma_start3A_98 = tpu.memref_slice %arg3[%dma_start3A_96, %dma_start3A_97] : memref<1000000x32xf32, #tpu.memory_space<hbm>> -> memref<1000000x32xf32, #tpu.memory_space<hbm>>
    tpu.enqueue_indirect_dma source(%dma_start3A_98 : memref<1000000x32xf32, #tpu.memory_space<hbm>>) target(%dma_start3A_93 : memref<1024x32xf32, #tpu.memory_space<vmem>>) offsets(%dma_start3A_95 : memref<1024xi32, #tpu.memory_space<vmem>>) semaphore(%arg7 : memref<!tpu.dma_semaphore, #tpu.memory_space<semaphore_mem>>)
    %add3A_99 = arith.constant 3072 : i32
    %add3A_100 = arith.addi %mul3A_2, %add3A_99 : i32
    %run_scoped3A_101 = arith.constant 1 : i32
    "tpu.region"() ({
      %run_scoped3A_230 = tpu.sem_alloc : memref<!tpu.dma_semaphore, #tpu.memory_space<semaphore_mem>>
      %dma_start3A_231 = arith.constant 0 : i32
      %dma_start3A_232 = arith.constant 0 : i32
      %dma_start3A_233 = tpu.memref_slice %arg6[%run_scoped3A_101, %dma_start3A_231, %dma_start3A_232] : memref<2x1024x32xf32, #tpu.memory_space<vmem>> -> memref<1x1024x32xf32, #tpu.memory_space<vmem>>
      %dma_start3A_234 = tpu.memref_squeeze %dma_start3A_233 : memref<1x1024x32xf32, #tpu.memory_space<vmem>> -> memref<1024x32xf32, #tpu.memory_space<vmem>>
      %dma_start3A_235 = arith.constant 0 : i32
      %dma_start3A_236 = tpu.memref_slice %arg4[%add3A_100, %dma_start3A_235] : memref<327680x32xf32, #tpu.memory_space<hbm>> -> memref<1024x32xf32, #tpu.memory_space<hbm>>
      %dma_start3A_237 = arith.constant 0 : i32
      %dma_start3A_238 = tpu.memref_slice %arg4[%add3A_100, %dma_start3A_237] : memref<327680x32xf32, #tpu.memory_space<hbm>> -> memref<1024x32xf32, #tpu.memory_space<hbm>>
      %dma_start3A_239 = arith.constant 0 : i32
      %dma_start3A_240 = arith.constant 0 : i32
      %dma_start3A_241 = tpu.memref_slice %arg6[%run_scoped3A_101, %dma_start3A_239, %dma_start3A_240] : memref<2x1024x32xf32, #tpu.memory_space<vmem>> -> memref<1x1024x32xf32, #tpu.memory_space<vmem>>
      %dma_start3A_242 = tpu.memref_squeeze %dma_start3A_241 : memref<1x1024x32xf32, #tpu.memory_space<vmem>> -> memref<1024x32xf32, #tpu.memory_space<vmem>>
      tpu.enqueue_dma source(%dma_start3A_242 : memref<1024x32xf32, #tpu.memory_space<vmem>>) target(%dma_start3A_238 : memref<1024x32xf32, #tpu.memory_space<hbm>>) target_semaphore(%run_scoped3A_230 : memref<!tpu.dma_semaphore, #tpu.memory_space<semaphore_mem>>)
      %dma_wait3A_243 = arith.constant 0 : i32
      %dma_wait3A_244 = arith.constant 0 : i32
      %dma_wait3A_245 = tpu.memref_slice %arg6[%run_scoped3A_101, %dma_wait3A_243, %dma_wait3A_244] : memref<2x1024x32xf32, #tpu.memory_space<vmem>> -> memref<1x1024x32xf32, #tpu.memory_space<vmem>>
      %dma_wait3A_246 = tpu.memref_squeeze %dma_wait3A_245 : memref<1x1024x32xf32, #tpu.memory_space<vmem>> -> memref<1024x32xf32, #tpu.memory_space<vmem>>
      %dma_wait3A_247 = arith.constant 0 : i32
      %dma_wait3A_248 = tpu.memref_slice %arg4[%add3A_100, %dma_wait3A_247] : memref<327680x32xf32, #tpu.memory_space<hbm>> -> memref<1024x32xf32, #tpu.memory_space<hbm>>
      %dma_wait3A_249 = arith.constant 0 : i32
      %dma_wait3A_250 = tpu.memref_slice %arg4[%add3A_100, %dma_wait3A_249] : memref<327680x32xf32, #tpu.memory_space<hbm>> -> memref<1024x32xf32, #tpu.memory_space<hbm>>
      %dma_wait3A_251 = arith.constant 0 : i32
      %dma_wait3A_252 = arith.constant 0 : i32
      %dma_wait3A_253 = tpu.memref_slice %arg6[%run_scoped3A_101, %dma_wait3A_251, %dma_wait3A_252] : memref<2x1024x32xf32, #tpu.memory_space<vmem>> -> memref<1x1024x32xf32, #tpu.memory_space<vmem>>
      %dma_wait3A_254 = tpu.memref_squeeze %dma_wait3A_253 : memref<1x1024x32xf32, #tpu.memory_space<vmem>> -> memref<1024x32xf32, #tpu.memory_space<vmem>>
      tpu.wait_dma2 semaphore(%run_scoped3A_230 : memref<!tpu.dma_semaphore, #tpu.memory_space<semaphore_mem>>) src(%dma_wait3A_254 : memref<1024x32xf32, #tpu.memory_space<vmem>>) dst(%dma_wait3A_250 : memref<1024x32xf32, #tpu.memory_space<hbm>>)
      tpu.yield
    }) : () -> ()
    %dma_wait3A_102 = arith.constant 0 : i32
    %dma_wait3A_103 = arith.constant 0 : i32
    %dma_wait3A_104 = arith.constant 0 : i32
    %dma_wait3A_105 = tpu.memref_slice %arg6[%dma_wait3A_102, %dma_wait3A_103, %dma_wait3A_104] : memref<2x1024x32xf32, #tpu.memory_space<vmem>> -> memref<1x1024x32xf32, #tpu.memory_space<vmem>>
    %dma_wait3A_106 = tpu.memref_squeeze %dma_wait3A_105 : memref<1x1024x32xf32, #tpu.memory_space<vmem>> -> memref<1024x32xf32, #tpu.memory_space<vmem>>
    %dma_wait3A_107 = arith.constant 4096 : i32
    %dma_wait3A_108 = tpu.memref_slice %arg5[%dma_wait3A_107] : memref<10240xi32, #tpu.memory_space<vmem>> -> memref<1024xi32, #tpu.memory_space<vmem>>
    %dma_wait3A_109 = arith.constant 0 : i32
    %dma_wait3A_110 = arith.constant 0 : i32
    %dma_wait3A_111 = tpu.memref_slice %arg3[%dma_wait3A_109, %dma_wait3A_110] : memref<1000000x32xf32, #tpu.memory_space<hbm>> -> memref<1000000x32xf32, #tpu.memory_space<hbm>>
    tpu.wait_indirect_dma semaphore(%arg7 : memref<!tpu.dma_semaphore, #tpu.memory_space<semaphore_mem>>) src(%dma_wait3A_111 : memref<1000000x32xf32, #tpu.memory_space<hbm>>) dst(%dma_wait3A_106 : memref<1024x32xf32, #tpu.memory_space<vmem>>)
    %dma_start3A_112 = arith.constant 1 : i32
    %dma_start3A_113 = arith.constant 0 : i32
    %dma_start3A_114 = arith.constant 0 : i32
    %dma_start3A_115 = tpu.memref_slice %arg6[%dma_start3A_112, %dma_start3A_113, %dma_start3A_114] : memref<2x1024x32xf32, #tpu.memory_space<vmem>> -> memref<1x1024x32xf32, #tpu.memory_space<vmem>>
    %dma_start3A_116 = tpu.memref_squeeze %dma_start3A_115 : memref<1x1024x32xf32, #tpu.memory_space<vmem>> -> memref<1024x32xf32, #tpu.memory_space<vmem>>
    %dma_start3A_117 = arith.constant 5120 : i32
    %dma_start3A_118 = tpu.memref_slice %arg5[%dma_start3A_117] : memref<10240xi32, #tpu.memory_space<vmem>> -> memref<1024xi32, #tpu.memory_space<vmem>>
    %dma_start3A_119 = arith.constant 0 : i32
    %dma_start3A_120 = arith.constant 0 : i32
    %dma_start3A_121 = tpu.memref_slice %arg3[%dma_start3A_119, %dma_start3A_120] : memref<1000000x32xf32, #tpu.memory_space<hbm>> -> memref<1000000x32xf32, #tpu.memory_space<hbm>>
    tpu.enqueue_indirect_dma source(%dma_start3A_121 : memref<1000000x32xf32, #tpu.memory_space<hbm>>) target(%dma_start3A_116 : memref<1024x32xf32, #tpu.memory_space<vmem>>) offsets(%dma_start3A_118 : memref<1024xi32, #tpu.memory_space<vmem>>) semaphore(%arg8 : memref<!tpu.dma_semaphore, #tpu.memory_space<semaphore_mem>>)
    %add3A_122 = arith.constant 4096 : i32
    %add3A_123 = arith.addi %mul3A_2, %add3A_122 : i32
    %run_scoped3A_124 = arith.constant 0 : i32
    "tpu.region"() ({
      %run_scoped3A_230 = tpu.sem_alloc : memref<!tpu.dma_semaphore, #tpu.memory_space<semaphore_mem>>
      %dma_start3A_231 = arith.constant 0 : i32
      %dma_start3A_232 = arith.constant 0 : i32
      %dma_start3A_233 = tpu.memref_slice %arg6[%run_scoped3A_124, %dma_start3A_231, %dma_start3A_232] : memref<2x1024x32xf32, #tpu.memory_space<vmem>> -> memref<1x1024x32xf32, #tpu.memory_space<vmem>>
      %dma_start3A_234 = tpu.memref_squeeze %dma_start3A_233 : memref<1x1024x32xf32, #tpu.memory_space<vmem>> -> memref<1024x32xf32, #tpu.memory_space<vmem>>
      %dma_start3A_235 = arith.constant 0 : i32
      %dma_start3A_236 = tpu.memref_slice %arg4[%add3A_123, %dma_start3A_235] : memref<327680x32xf32, #tpu.memory_space<hbm>> -> memref<1024x32xf32, #tpu.memory_space<hbm>>
      %dma_start3A_237 = arith.constant 0 : i32
      %dma_start3A_238 = tpu.memref_slice %arg4[%add3A_123, %dma_start3A_237] : memref<327680x32xf32, #tpu.memory_space<hbm>> -> memref<1024x32xf32, #tpu.memory_space<hbm>>
      %dma_start3A_239 = arith.constant 0 : i32
      %dma_start3A_240 = arith.constant 0 : i32
      %dma_start3A_241 = tpu.memref_slice %arg6[%run_scoped3A_124, %dma_start3A_239, %dma_start3A_240] : memref<2x1024x32xf32, #tpu.memory_space<vmem>> -> memref<1x1024x32xf32, #tpu.memory_space<vmem>>
      %dma_start3A_242 = tpu.memref_squeeze %dma_start3A_241 : memref<1x1024x32xf32, #tpu.memory_space<vmem>> -> memref<1024x32xf32, #tpu.memory_space<vmem>>
      tpu.enqueue_dma source(%dma_start3A_242 : memref<1024x32xf32, #tpu.memory_space<vmem>>) target(%dma_start3A_238 : memref<1024x32xf32, #tpu.memory_space<hbm>>) target_semaphore(%run_scoped3A_230 : memref<!tpu.dma_semaphore, #tpu.memory_space<semaphore_mem>>)
      %dma_wait3A_243 = arith.constant 0 : i32
      %dma_wait3A_244 = arith.constant 0 : i32
      %dma_wait3A_245 = tpu.memref_slice %arg6[%run_scoped3A_124, %dma_wait3A_243, %dma_wait3A_244] : memref<2x1024x32xf32, #tpu.memory_space<vmem>> -> memref<1x1024x32xf32, #tpu.memory_space<vmem>>
      %dma_wait3A_246 = tpu.memref_squeeze %dma_wait3A_245 : memref<1x1024x32xf32, #tpu.memory_space<vmem>> -> memref<1024x32xf32, #tpu.memory_space<vmem>>
      %dma_wait3A_247 = arith.constant 0 : i32
      %dma_wait3A_248 = tpu.memref_slice %arg4[%add3A_123, %dma_wait3A_247] : memref<327680x32xf32, #tpu.memory_space<hbm>> -> memref<1024x32xf32, #tpu.memory_space<hbm>>
      %dma_wait3A_249 = arith.constant 0 : i32
      %dma_wait3A_250 = tpu.memref_slice %arg4[%add3A_123, %dma_wait3A_249] : memref<327680x32xf32, #tpu.memory_space<hbm>> -> memref<1024x32xf32, #tpu.memory_space<hbm>>
      %dma_wait3A_251 = arith.constant 0 : i32
      %dma_wait3A_252 = arith.constant 0 : i32
      %dma_wait3A_253 = tpu.memref_slice %arg6[%run_scoped3A_124, %dma_wait3A_251, %dma_wait3A_252] : memref<2x1024x32xf32, #tpu.memory_space<vmem>> -> memref<1x1024x32xf32, #tpu.memory_space<vmem>>
      %dma_wait3A_254 = tpu.memref_squeeze %dma_wait3A_253 : memref<1x1024x32xf32, #tpu.memory_space<vmem>> -> memref<1024x32xf32, #tpu.memory_space<vmem>>
      tpu.wait_dma2 semaphore(%run_scoped3A_230 : memref<!tpu.dma_semaphore, #tpu.memory_space<semaphore_mem>>) src(%dma_wait3A_254 : memref<1024x32xf32, #tpu.memory_space<vmem>>) dst(%dma_wait3A_250 : memref<1024x32xf32, #tpu.memory_space<hbm>>)
      tpu.yield
    }) : () -> ()
    %dma_wait3A_125 = arith.constant 1 : i32
    %dma_wait3A_126 = arith.constant 0 : i32
    %dma_wait3A_127 = arith.constant 0 : i32
    %dma_wait3A_128 = tpu.memref_slice %arg6[%dma_wait3A_125, %dma_wait3A_126, %dma_wait3A_127] : memref<2x1024x32xf32, #tpu.memory_space<vmem>> -> memref<1x1024x32xf32, #tpu.memory_space<vmem>>
    %dma_wait3A_129 = tpu.memref_squeeze %dma_wait3A_128 : memref<1x1024x32xf32, #tpu.memory_space<vmem>> -> memref<1024x32xf32, #tpu.memory_space<vmem>>
    %dma_wait3A_130 = arith.constant 5120 : i32
    %dma_wait3A_131 = tpu.memref_slice %arg5[%dma_wait3A_130] : memref<10240xi32, #tpu.memory_space<vmem>> -> memref<1024xi32, #tpu.memory_space<vmem>>
    %dma_wait3A_132 = arith.constant 0 : i32
    %dma_wait3A_133 = arith.constant 0 : i32
    %dma_wait3A_134 = tpu.memref_slice %arg3[%dma_wait3A_132, %dma_wait3A_133] : memref<1000000x32xf32, #tpu.memory_space<hbm>> -> memref<1000000x32xf32, #tpu.memory_space<hbm>>
    tpu.wait_indirect_dma semaphore(%arg8 : memref<!tpu.dma_semaphore, #tpu.memory_space<semaphore_mem>>) src(%dma_wait3A_134 : memref<1000000x32xf32, #tpu.memory_space<hbm>>) dst(%dma_wait3A_129 : memref<1024x32xf32, #tpu.memory_space<vmem>>)
    %dma_start3A_135 = arith.constant 0 : i32
    %dma_start3A_136 = arith.constant 0 : i32
    %dma_start3A_137 = arith.constant 0 : i32
    %dma_start3A_138 = tpu.memref_slice %arg6[%dma_start3A_135, %dma_start3A_136, %dma_start3A_137] : memref<2x1024x32xf32, #tpu.memory_space<vmem>> -> memref<1x1024x32xf32, #tpu.memory_space<vmem>>
    %dma_start3A_139 = tpu.memref_squeeze %dma_start3A_138 : memref<1x1024x32xf32, #tpu.memory_space<vmem>> -> memref<1024x32xf32, #tpu.memory_space<vmem>>
    %dma_start3A_140 = arith.constant 6144 : i32
    %dma_start3A_141 = tpu.memref_slice %arg5[%dma_start3A_140] : memref<10240xi32, #tpu.memory_space<vmem>> -> memref<1024xi32, #tpu.memory_space<vmem>>
    %dma_start3A_142 = arith.constant 0 : i32
    %dma_start3A_143 = arith.constant 0 : i32
    %dma_start3A_144 = tpu.memref_slice %arg3[%dma_start3A_142, %dma_start3A_143] : memref<1000000x32xf32, #tpu.memory_space<hbm>> -> memref<1000000x32xf32, #tpu.memory_space<hbm>>
    tpu.enqueue_indirect_dma source(%dma_start3A_144 : memref<1000000x32xf32, #tpu.memory_space<hbm>>) target(%dma_start3A_139 : memref<1024x32xf32, #tpu.memory_space<vmem>>) offsets(%dma_start3A_141 : memref<1024xi32, #tpu.memory_space<vmem>>) semaphore(%arg7 : memref<!tpu.dma_semaphore, #tpu.memory_space<semaphore_mem>>)
    %add3A_145 = arith.constant 5120 : i32
    %add3A_146 = arith.addi %mul3A_2, %add3A_145 : i32
    %run_scoped3A_147 = arith.constant 1 : i32
    "tpu.region"() ({
      %run_scoped3A_230 = tpu.sem_alloc : memref<!tpu.dma_semaphore, #tpu.memory_space<semaphore_mem>>
      %dma_start3A_231 = arith.constant 0 : i32
      %dma_start3A_232 = arith.constant 0 : i32
      %dma_start3A_233 = tpu.memref_slice %arg6[%run_scoped3A_147, %dma_start3A_231, %dma_start3A_232] : memref<2x1024x32xf32, #tpu.memory_space<vmem>> -> memref<1x1024x32xf32, #tpu.memory_space<vmem>>
      %dma_start3A_234 = tpu.memref_squeeze %dma_start3A_233 : memref<1x1024x32xf32, #tpu.memory_space<vmem>> -> memref<1024x32xf32, #tpu.memory_space<vmem>>
      %dma_start3A_235 = arith.constant 0 : i32
      %dma_start3A_236 = tpu.memref_slice %arg4[%add3A_146, %dma_start3A_235] : memref<327680x32xf32, #tpu.memory_space<hbm>> -> memref<1024x32xf32, #tpu.memory_space<hbm>>
      %dma_start3A_237 = arith.constant 0 : i32
      %dma_start3A_238 = tpu.memref_slice %arg4[%add3A_146, %dma_start3A_237] : memref<327680x32xf32, #tpu.memory_space<hbm>> -> memref<1024x32xf32, #tpu.memory_space<hbm>>
      %dma_start3A_239 = arith.constant 0 : i32
      %dma_start3A_240 = arith.constant 0 : i32
      %dma_start3A_241 = tpu.memref_slice %arg6[%run_scoped3A_147, %dma_start3A_239, %dma_start3A_240] : memref<2x1024x32xf32, #tpu.memory_space<vmem>> -> memref<1x1024x32xf32, #tpu.memory_space<vmem>>
      %dma_start3A_242 = tpu.memref_squeeze %dma_start3A_241 : memref<1x1024x32xf32, #tpu.memory_space<vmem>> -> memref<1024x32xf32, #tpu.memory_space<vmem>>
      tpu.enqueue_dma source(%dma_start3A_242 : memref<1024x32xf32, #tpu.memory_space<vmem>>) target(%dma_start3A_238 : memref<1024x32xf32, #tpu.memory_space<hbm>>) target_semaphore(%run_scoped3A_230 : memref<!tpu.dma_semaphore, #tpu.memory_space<semaphore_mem>>)
      %dma_wait3A_243 = arith.constant 0 : i32
      %dma_wait3A_244 = arith.constant 0 : i32
      %dma_wait3A_245 = tpu.memref_slice %arg6[%run_scoped3A_147, %dma_wait3A_243, %dma_wait3A_244] : memref<2x1024x32xf32, #tpu.memory_space<vmem>> -> memref<1x1024x32xf32, #tpu.memory_space<vmem>>
      %dma_wait3A_246 = tpu.memref_squeeze %dma_wait3A_245 : memref<1x1024x32xf32, #tpu.memory_space<vmem>> -> memref<1024x32xf32, #tpu.memory_space<vmem>>
      %dma_wait3A_247 = arith.constant 0 : i32
      %dma_wait3A_248 = tpu.memref_slice %arg4[%add3A_146, %dma_wait3A_247] : memref<327680x32xf32, #tpu.memory_space<hbm>> -> memref<1024x32xf32, #tpu.memory_space<hbm>>
      %dma_wait3A_249 = arith.constant 0 : i32
      %dma_wait3A_250 = tpu.memref_slice %arg4[%add3A_146, %dma_wait3A_249] : memref<327680x32xf32, #tpu.memory_space<hbm>> -> memref<1024x32xf32, #tpu.memory_space<hbm>>
      %dma_wait3A_251 = arith.constant 0 : i32
      %dma_wait3A_252 = arith.constant 0 : i32
      %dma_wait3A_253 = tpu.memref_slice %arg6[%run_scoped3A_147, %dma_wait3A_251, %dma_wait3A_252] : memref<2x1024x32xf32, #tpu.memory_space<vmem>> -> memref<1x1024x32xf32, #tpu.memory_space<vmem>>
      %dma_wait3A_254 = tpu.memref_squeeze %dma_wait3A_253 : memref<1x1024x32xf32, #tpu.memory_space<vmem>> -> memref<1024x32xf32, #tpu.memory_space<vmem>>
      tpu.wait_dma2 semaphore(%run_scoped3A_230 : memref<!tpu.dma_semaphore, #tpu.memory_space<semaphore_mem>>) src(%dma_wait3A_254 : memref<1024x32xf32, #tpu.memory_space<vmem>>) dst(%dma_wait3A_250 : memref<1024x32xf32, #tpu.memory_space<hbm>>)
      tpu.yield
    }) : () -> ()
    %dma_wait3A_148 = arith.constant 0 : i32
    %dma_wait3A_149 = arith.constant 0 : i32
    %dma_wait3A_150 = arith.constant 0 : i32
    %dma_wait3A_151 = tpu.memref_slice %arg6[%dma_wait3A_148, %dma_wait3A_149, %dma_wait3A_150] : memref<2x1024x32xf32, #tpu.memory_space<vmem>> -> memref<1x1024x32xf32, #tpu.memory_space<vmem>>
    %dma_wait3A_152 = tpu.memref_squeeze %dma_wait3A_151 : memref<1x1024x32xf32, #tpu.memory_space<vmem>> -> memref<1024x32xf32, #tpu.memory_space<vmem>>
    %dma_wait3A_153 = arith.constant 6144 : i32
    %dma_wait3A_154 = tpu.memref_slice %arg5[%dma_wait3A_153] : memref<10240xi32, #tpu.memory_space<vmem>> -> memref<1024xi32, #tpu.memory_space<vmem>>
    %dma_wait3A_155 = arith.constant 0 : i32
    %dma_wait3A_156 = arith.constant 0 : i32
    %dma_wait3A_157 = tpu.memref_slice %arg3[%dma_wait3A_155, %dma_wait3A_156] : memref<1000000x32xf32, #tpu.memory_space<hbm>> -> memref<1000000x32xf32, #tpu.memory_space<hbm>>
    tpu.wait_indirect_dma semaphore(%arg7 : memref<!tpu.dma_semaphore, #tpu.memory_space<semaphore_mem>>) src(%dma_wait3A_157 : memref<1000000x32xf32, #tpu.memory_space<hbm>>) dst(%dma_wait3A_152 : memref<1024x32xf32, #tpu.memory_space<vmem>>)
    %dma_start3A_158 = arith.constant 1 : i32
    %dma_start3A_159 = arith.constant 0 : i32
    %dma_start3A_160 = arith.constant 0 : i32
    %dma_start3A_161 = tpu.memref_slice %arg6[%dma_start3A_158, %dma_start3A_159, %dma_start3A_160] : memref<2x1024x32xf32, #tpu.memory_space<vmem>> -> memref<1x1024x32xf32, #tpu.memory_space<vmem>>
    %dma_start3A_162 = tpu.memref_squeeze %dma_start3A_161 : memref<1x1024x32xf32, #tpu.memory_space<vmem>> -> memref<1024x32xf32, #tpu.memory_space<vmem>>
    %dma_start3A_163 = arith.constant 7168 : i32
    %dma_start3A_164 = tpu.memref_slice %arg5[%dma_start3A_163] : memref<10240xi32, #tpu.memory_space<vmem>> -> memref<1024xi32, #tpu.memory_space<vmem>>
    %dma_start3A_165 = arith.constant 0 : i32
    %dma_start3A_166 = arith.constant 0 : i32
    %dma_start3A_167 = tpu.memref_slice %arg3[%dma_start3A_165, %dma_start3A_166] : memref<1000000x32xf32, #tpu.memory_space<hbm>> -> memref<1000000x32xf32, #tpu.memory_space<hbm>>
    tpu.enqueue_indirect_dma source(%dma_start3A_167 : memref<1000000x32xf32, #tpu.memory_space<hbm>>) target(%dma_start3A_162 : memref<1024x32xf32, #tpu.memory_space<vmem>>) offsets(%dma_start3A_164 : memref<1024xi32, #tpu.memory_space<vmem>>) semaphore(%arg8 : memref<!tpu.dma_semaphore, #tpu.memory_space<semaphore_mem>>)
    %add3A_168 = arith.constant 6144 : i32
    %add3A_169 = arith.addi %mul3A_2, %add3A_168 : i32
    %run_scoped3A_170 = arith.constant 0 : i32
    "tpu.region"() ({
      %run_scoped3A_230 = tpu.sem_alloc : memref<!tpu.dma_semaphore, #tpu.memory_space<semaphore_mem>>
      %dma_start3A_231 = arith.constant 0 : i32
      %dma_start3A_232 = arith.constant 0 : i32
      %dma_start3A_233 = tpu.memref_slice %arg6[%run_scoped3A_170, %dma_start3A_231, %dma_start3A_232] : memref<2x1024x32xf32, #tpu.memory_space<vmem>> -> memref<1x1024x32xf32, #tpu.memory_space<vmem>>
      %dma_start3A_234 = tpu.memref_squeeze %dma_start3A_233 : memref<1x1024x32xf32, #tpu.memory_space<vmem>> -> memref<1024x32xf32, #tpu.memory_space<vmem>>
      %dma_start3A_235 = arith.constant 0 : i32
      %dma_start3A_236 = tpu.memref_slice %arg4[%add3A_169, %dma_start3A_235] : memref<327680x32xf32, #tpu.memory_space<hbm>> -> memref<1024x32xf32, #tpu.memory_space<hbm>>
      %dma_start3A_237 = arith.constant 0 : i32
      %dma_start3A_238 = tpu.memref_slice %arg4[%add3A_169, %dma_start3A_237] : memref<327680x32xf32, #tpu.memory_space<hbm>> -> memref<1024x32xf32, #tpu.memory_space<hbm>>
      %dma_start3A_239 = arith.constant 0 : i32
      %dma_start3A_240 = arith.constant 0 : i32
      %dma_start3A_241 = tpu.memref_slice %arg6[%run_scoped3A_170, %dma_start3A_239, %dma_start3A_240] : memref<2x1024x32xf32, #tpu.memory_space<vmem>> -> memref<1x1024x32xf32, #tpu.memory_space<vmem>>
      %dma_start3A_242 = tpu.memref_squeeze %dma_start3A_241 : memref<1x1024x32xf32, #tpu.memory_space<vmem>> -> memref<1024x32xf32, #tpu.memory_space<vmem>>
      tpu.enqueue_dma source(%dma_start3A_242 : memref<1024x32xf32, #tpu.memory_space<vmem>>) target(%dma_start3A_238 : memref<1024x32xf32, #tpu.memory_space<hbm>>) target_semaphore(%run_scoped3A_230 : memref<!tpu.dma_semaphore, #tpu.memory_space<semaphore_mem>>)
      %dma_wait3A_243 = arith.constant 0 : i32
      %dma_wait3A_244 = arith.constant 0 : i32
      %dma_wait3A_245 = tpu.memref_slice %arg6[%run_scoped3A_170, %dma_wait3A_243, %dma_wait3A_244] : memref<2x1024x32xf32, #tpu.memory_space<vmem>> -> memref<1x1024x32xf32, #tpu.memory_space<vmem>>
      %dma_wait3A_246 = tpu.memref_squeeze %dma_wait3A_245 : memref<1x1024x32xf32, #tpu.memory_space<vmem>> -> memref<1024x32xf32, #tpu.memory_space<vmem>>
      %dma_wait3A_247 = arith.constant 0 : i32
      %dma_wait3A_248 = tpu.memref_slice %arg4[%add3A_169, %dma_wait3A_247] : memref<327680x32xf32, #tpu.memory_space<hbm>> -> memref<1024x32xf32, #tpu.memory_space<hbm>>
      %dma_wait3A_249 = arith.constant 0 : i32
      %dma_wait3A_250 = tpu.memref_slice %arg4[%add3A_169, %dma_wait3A_249] : memref<327680x32xf32, #tpu.memory_space<hbm>> -> memref<1024x32xf32, #tpu.memory_space<hbm>>
      %dma_wait3A_251 = arith.constant 0 : i32
      %dma_wait3A_252 = arith.constant 0 : i32
      %dma_wait3A_253 = tpu.memref_slice %arg6[%run_scoped3A_170, %dma_wait3A_251, %dma_wait3A_252] : memref<2x1024x32xf32, #tpu.memory_space<vmem>> -> memref<1x1024x32xf32, #tpu.memory_space<vmem>>
      %dma_wait3A_254 = tpu.memref_squeeze %dma_wait3A_253 : memref<1x1024x32xf32, #tpu.memory_space<vmem>> -> memref<1024x32xf32, #tpu.memory_space<vmem>>
      tpu.wait_dma2 semaphore(%run_scoped3A_230 : memref<!tpu.dma_semaphore, #tpu.memory_space<semaphore_mem>>) src(%dma_wait3A_254 : memref<1024x32xf32, #tpu.memory_space<vmem>>) dst(%dma_wait3A_250 : memref<1024x32xf32, #tpu.memory_space<hbm>>)
      tpu.yield
    }) : () -> ()
    %dma_wait3A_171 = arith.constant 1 : i32
    %dma_wait3A_172 = arith.constant 0 : i32
    %dma_wait3A_173 = arith.constant 0 : i32
    %dma_wait3A_174 = tpu.memref_slice %arg6[%dma_wait3A_171, %dma_wait3A_172, %dma_wait3A_173] : memref<2x1024x32xf32, #tpu.memory_space<vmem>> -> memref<1x1024x32xf32, #tpu.memory_space<vmem>>
    %dma_wait3A_175 = tpu.memref_squeeze %dma_wait3A_174 : memref<1x1024x32xf32, #tpu.memory_space<vmem>> -> memref<1024x32xf32, #tpu.memory_space<vmem>>
    %dma_wait3A_176 = arith.constant 7168 : i32
    %dma_wait3A_177 = tpu.memref_slice %arg5[%dma_wait3A_176] : memref<10240xi32, #tpu.memory_space<vmem>> -> memref<1024xi32, #tpu.memory_space<vmem>>
    %dma_wait3A_178 = arith.constant 0 : i32
    %dma_wait3A_179 = arith.constant 0 : i32
    %dma_wait3A_180 = tpu.memref_slice %arg3[%dma_wait3A_178, %dma_wait3A_179] : memref<1000000x32xf32, #tpu.memory_space<hbm>> -> memref<1000000x32xf32, #tpu.memory_space<hbm>>
    tpu.wait_indirect_dma semaphore(%arg8 : memref<!tpu.dma_semaphore, #tpu.memory_space<semaphore_mem>>) src(%dma_wait3A_180 : memref<1000000x32xf32, #tpu.memory_space<hbm>>) dst(%dma_wait3A_175 : memref<1024x32xf32, #tpu.memory_space<vmem>>)
    %dma_start3A_181 = arith.constant 0 : i32
    %dma_start3A_182 = arith.constant 0 : i32
    %dma_start3A_183 = arith.constant 0 : i32
    %dma_start3A_184 = tpu.memref_slice %arg6[%dma_start3A_181, %dma_start3A_182, %dma_start3A_183] : memref<2x1024x32xf32, #tpu.memory_space<vmem>> -> memref<1x1024x32xf32, #tpu.memory_space<vmem>>
    %dma_start3A_185 = tpu.memref_squeeze %dma_start3A_184 : memref<1x1024x32xf32, #tpu.memory_space<vmem>> -> memref<1024x32xf32, #tpu.memory_space<vmem>>
    %dma_start3A_186 = arith.constant 8192 : i32
    %dma_start3A_187 = tpu.memref_slice %arg5[%dma_start3A_186] : memref<10240xi32, #tpu.memory_space<vmem>> -> memref<1024xi32, #tpu.memory_space<vmem>>
    %dma_start3A_188 = arith.constant 0 : i32
    %dma_start3A_189 = arith.constant 0 : i32
    %dma_start3A_190 = tpu.memref_slice %arg3[%dma_start3A_188, %dma_start3A_189] : memref<1000000x32xf32, #tpu.memory_space<hbm>> -> memref<1000000x32xf32, #tpu.memory_space<hbm>>
    tpu.enqueue_indirect_dma source(%dma_start3A_190 : memref<1000000x32xf32, #tpu.memory_space<hbm>>) target(%dma_start3A_185 : memref<1024x32xf32, #tpu.memory_space<vmem>>) offsets(%dma_start3A_187 : memref<1024xi32, #tpu.memory_space<vmem>>) semaphore(%arg7 : memref<!tpu.dma_semaphore, #tpu.memory_space<semaphore_mem>>)
    %add3A_191 = arith.constant 7168 : i32
    %add3A_192 = arith.addi %mul3A_2, %add3A_191 : i32
    %run_scoped3A_193 = arith.constant 1 : i32
    "tpu.region"() ({
      %run_scoped3A_230 = tpu.sem_alloc : memref<!tpu.dma_semaphore, #tpu.memory_space<semaphore_mem>>
      %dma_start3A_231 = arith.constant 0 : i32
      %dma_start3A_232 = arith.constant 0 : i32
      %dma_start3A_233 = tpu.memref_slice %arg6[%run_scoped3A_193, %dma_start3A_231, %dma_start3A_232] : memref<2x1024x32xf32, #tpu.memory_space<vmem>> -> memref<1x1024x32xf32, #tpu.memory_space<vmem>>
      %dma_start3A_234 = tpu.memref_squeeze %dma_start3A_233 : memref<1x1024x32xf32, #tpu.memory_space<vmem>> -> memref<1024x32xf32, #tpu.memory_space<vmem>>
      %dma_start3A_235 = arith.constant 0 : i32
      %dma_start3A_236 = tpu.memref_slice %arg4[%add3A_192, %dma_start3A_235] : memref<327680x32xf32, #tpu.memory_space<hbm>> -> memref<1024x32xf32, #tpu.memory_space<hbm>>
      %dma_start3A_237 = arith.constant 0 : i32
      %dma_start3A_238 = tpu.memref_slice %arg4[%add3A_192, %dma_start3A_237] : memref<327680x32xf32, #tpu.memory_space<hbm>> -> memref<1024x32xf32, #tpu.memory_space<hbm>>
      %dma_start3A_239 = arith.constant 0 : i32
      %dma_start3A_240 = arith.constant 0 : i32
      %dma_start3A_241 = tpu.memref_slice %arg6[%run_scoped3A_193, %dma_start3A_239, %dma_start3A_240] : memref<2x1024x32xf32, #tpu.memory_space<vmem>> -> memref<1x1024x32xf32, #tpu.memory_space<vmem>>
      %dma_start3A_242 = tpu.memref_squeeze %dma_start3A_241 : memref<1x1024x32xf32, #tpu.memory_space<vmem>> -> memref<1024x32xf32, #tpu.memory_space<vmem>>
      tpu.enqueue_dma source(%dma_start3A_242 : memref<1024x32xf32, #tpu.memory_space<vmem>>) target(%dma_start3A_238 : memref<1024x32xf32, #tpu.memory_space<hbm>>) target_semaphore(%run_scoped3A_230 : memref<!tpu.dma_semaphore, #tpu.memory_space<semaphore_mem>>)
      %dma_wait3A_243 = arith.constant 0 : i32
      %dma_wait3A_244 = arith.constant 0 : i32
      %dma_wait3A_245 = tpu.memref_slice %arg6[%run_scoped3A_193, %dma_wait3A_243, %dma_wait3A_244] : memref<2x1024x32xf32, #tpu.memory_space<vmem>> -> memref<1x1024x32xf32, #tpu.memory_space<vmem>>
      %dma_wait3A_246 = tpu.memref_squeeze %dma_wait3A_245 : memref<1x1024x32xf32, #tpu.memory_space<vmem>> -> memref<1024x32xf32, #tpu.memory_space<vmem>>
      %dma_wait3A_247 = arith.constant 0 : i32
      %dma_wait3A_248 = tpu.memref_slice %arg4[%add3A_192, %dma_wait3A_247] : memref<327680x32xf32, #tpu.memory_space<hbm>> -> memref<1024x32xf32, #tpu.memory_space<hbm>>
      %dma_wait3A_249 = arith.constant 0 : i32
      %dma_wait3A_250 = tpu.memref_slice %arg4[%add3A_192, %dma_wait3A_249] : memref<327680x32xf32, #tpu.memory_space<hbm>> -> memref<1024x32xf32, #tpu.memory_space<hbm>>
      %dma_wait3A_251 = arith.constant 0 : i32
      %dma_wait3A_252 = arith.constant 0 : i32
      %dma_wait3A_253 = tpu.memref_slice %arg6[%run_scoped3A_193, %dma_wait3A_251, %dma_wait3A_252] : memref<2x1024x32xf32, #tpu.memory_space<vmem>> -> memref<1x1024x32xf32, #tpu.memory_space<vmem>>
      %dma_wait3A_254 = tpu.memref_squeeze %dma_wait3A_253 : memref<1x1024x32xf32, #tpu.memory_space<vmem>> -> memref<1024x32xf32, #tpu.memory_space<vmem>>
      tpu.wait_dma2 semaphore(%run_scoped3A_230 : memref<!tpu.dma_semaphore, #tpu.memory_space<semaphore_mem>>) src(%dma_wait3A_254 : memref<1024x32xf32, #tpu.memory_space<vmem>>) dst(%dma_wait3A_250 : memref<1024x32xf32, #tpu.memory_space<hbm>>)
      tpu.yield
    }) : () -> ()
    %dma_wait3A_194 = arith.constant 0 : i32
    %dma_wait3A_195 = arith.constant 0 : i32
    %dma_wait3A_196 = arith.constant 0 : i32
    %dma_wait3A_197 = tpu.memref_slice %arg6[%dma_wait3A_194, %dma_wait3A_195, %dma_wait3A_196] : memref<2x1024x32xf32, #tpu.memory_space<vmem>> -> memref<1x1024x32xf32, #tpu.memory_space<vmem>>
    %dma_wait3A_198 = tpu.memref_squeeze %dma_wait3A_197 : memref<1x1024x32xf32, #tpu.memory_space<vmem>> -> memref<1024x32xf32, #tpu.memory_space<vmem>>
    %dma_wait3A_199 = arith.constant 8192 : i32
    %dma_wait3A_200 = tpu.memref_slice %arg5[%dma_wait3A_199] : memref<10240xi32, #tpu.memory_space<vmem>> -> memref<1024xi32, #tpu.memory_space<vmem>>
    %dma_wait3A_201 = arith.constant 0 : i32
    %dma_wait3A_202 = arith.constant 0 : i32
    %dma_wait3A_203 = tpu.memref_slice %arg3[%dma_wait3A_201, %dma_wait3A_202] : memref<1000000x32xf32, #tpu.memory_space<hbm>> -> memref<1000000x32xf32, #tpu.memory_space<hbm>>
    tpu.wait_indirect_dma semaphore(%arg7 : memref<!tpu.dma_semaphore, #tpu.memory_space<semaphore_mem>>) src(%dma_wait3A_203 : memref<1000000x32xf32, #tpu.memory_space<hbm>>) dst(%dma_wait3A_198 : memref<1024x32xf32, #tpu.memory_space<vmem>>)
    %dma_start3A_204 = arith.constant 1 : i32
    %dma_start3A_205 = arith.constant 0 : i32
    %dma_start3A_206 = arith.constant 0 : i32
    %dma_start3A_207 = tpu.memref_slice %arg6[%dma_start3A_204, %dma_start3A_205, %dma_start3A_206] : memref<2x1024x32xf32, #tpu.memory_space<vmem>> -> memref<1x1024x32xf32, #tpu.memory_space<vmem>>
    %dma_start3A_208 = tpu.memref_squeeze %dma_start3A_207 : memref<1x1024x32xf32, #tpu.memory_space<vmem>> -> memref<1024x32xf32, #tpu.memory_space<vmem>>
    %dma_start3A_209 = arith.constant 9216 : i32
    %dma_start3A_210 = tpu.memref_slice %arg5[%dma_start3A_209] : memref<10240xi32, #tpu.memory_space<vmem>> -> memref<1024xi32, #tpu.memory_space<vmem>>
    %dma_start3A_211 = arith.constant 0 : i32
    %dma_start3A_212 = arith.constant 0 : i32
    %dma_start3A_213 = tpu.memref_slice %arg3[%dma_start3A_211, %dma_start3A_212] : memref<1000000x32xf32, #tpu.memory_space<hbm>> -> memref<1000000x32xf32, #tpu.memory_space<hbm>>
    tpu.enqueue_indirect_dma source(%dma_start3A_213 : memref<1000000x32xf32, #tpu.memory_space<hbm>>) target(%dma_start3A_208 : memref<1024x32xf32, #tpu.memory_space<vmem>>) offsets(%dma_start3A_210 : memref<1024xi32, #tpu.memory_space<vmem>>) semaphore(%arg8 : memref<!tpu.dma_semaphore, #tpu.memory_space<semaphore_mem>>)
    %add3A_214 = arith.constant 8192 : i32
    %add3A_215 = arith.addi %mul3A_2, %add3A_214 : i32
    %run_scoped3A_216 = arith.constant 0 : i32
    "tpu.region"() ({
      %run_scoped3A_230 = tpu.sem_alloc : memref<!tpu.dma_semaphore, #tpu.memory_space<semaphore_mem>>
      %dma_start3A_231 = arith.constant 0 : i32
      %dma_start3A_232 = arith.constant 0 : i32
      %dma_start3A_233 = tpu.memref_slice %arg6[%run_scoped3A_216, %dma_start3A_231, %dma_start3A_232] : memref<2x1024x32xf32, #tpu.memory_space<vmem>> -> memref<1x1024x32xf32, #tpu.memory_space<vmem>>
      %dma_start3A_234 = tpu.memref_squeeze %dma_start3A_233 : memref<1x1024x32xf32, #tpu.memory_space<vmem>> -> memref<1024x32xf32, #tpu.memory_space<vmem>>
      %dma_start3A_235 = arith.constant 0 : i32
      %dma_start3A_236 = tpu.memref_slice %arg4[%add3A_215, %dma_start3A_235] : memref<327680x32xf32, #tpu.memory_space<hbm>> -> memref<1024x32xf32, #tpu.memory_space<hbm>>
      %dma_start3A_237 = arith.constant 0 : i32
      %dma_start3A_238 = tpu.memref_slice %arg4[%add3A_215, %dma_start3A_237] : memref<327680x32xf32, #tpu.memory_space<hbm>> -> memref<1024x32xf32, #tpu.memory_space<hbm>>
      %dma_start3A_239 = arith.constant 0 : i32
      %dma_start3A_240 = arith.constant 0 : i32
      %dma_start3A_241 = tpu.memref_slice %arg6[%run_scoped3A_216, %dma_start3A_239, %dma_start3A_240] : memref<2x1024x32xf32, #tpu.memory_space<vmem>> -> memref<1x1024x32xf32, #tpu.memory_space<vmem>>
      %dma_start3A_242 = tpu.memref_squeeze %dma_start3A_241 : memref<1x1024x32xf32, #tpu.memory_space<vmem>> -> memref<1024x32xf32, #tpu.memory_space<vmem>>
      tpu.enqueue_dma source(%dma_start3A_242 : memref<1024x32xf32, #tpu.memory_space<vmem>>) target(%dma_start3A_238 : memref<1024x32xf32, #tpu.memory_space<hbm>>) target_semaphore(%run_scoped3A_230 : memref<!tpu.dma_semaphore, #tpu.memory_space<semaphore_mem>>)
      %dma_wait3A_243 = arith.constant 0 : i32
      %dma_wait3A_244 = arith.constant 0 : i32
      %dma_wait3A_245 = tpu.memref_slice %arg6[%run_scoped3A_216, %dma_wait3A_243, %dma_wait3A_244] : memref<2x1024x32xf32, #tpu.memory_space<vmem>> -> memref<1x1024x32xf32, #tpu.memory_space<vmem>>
      %dma_wait3A_246 = tpu.memref_squeeze %dma_wait3A_245 : memref<1x1024x32xf32, #tpu.memory_space<vmem>> -> memref<1024x32xf32, #tpu.memory_space<vmem>>
      %dma_wait3A_247 = arith.constant 0 : i32
      %dma_wait3A_248 = tpu.memref_slice %arg4[%add3A_215, %dma_wait3A_247] : memref<327680x32xf32, #tpu.memory_space<hbm>> -> memref<1024x32xf32, #tpu.memory_space<hbm>>
      %dma_wait3A_249 = arith.constant 0 : i32
      %dma_wait3A_250 = tpu.memref_slice %arg4[%add3A_215, %dma_wait3A_249] : memref<327680x32xf32, #tpu.memory_space<hbm>> -> memref<1024x32xf32, #tpu.memory_space<hbm>>
      %dma_wait3A_251 = arith.constant 0 : i32
      %dma_wait3A_252 = arith.constant 0 : i32
      %dma_wait3A_253 = tpu.memref_slice %arg6[%run_scoped3A_216, %dma_wait3A_251, %dma_wait3A_252] : memref<2x1024x32xf32, #tpu.memory_space<vmem>> -> memref<1x1024x32xf32, #tpu.memory_space<vmem>>
      %dma_wait3A_254 = tpu.memref_squeeze %dma_wait3A_253 : memref<1x1024x32xf32, #tpu.memory_space<vmem>> -> memref<1024x32xf32, #tpu.memory_space<vmem>>
      tpu.wait_dma2 semaphore(%run_scoped3A_230 : memref<!tpu.dma_semaphore, #tpu.memory_space<semaphore_mem>>) src(%dma_wait3A_254 : memref<1024x32xf32, #tpu.memory_space<vmem>>) dst(%dma_wait3A_250 : memref<1024x32xf32, #tpu.memory_space<hbm>>)
      tpu.yield
    }) : () -> ()
    %dma_wait3A_217 = arith.constant 1 : i32
    %dma_wait3A_218 = arith.constant 0 : i32
    %dma_wait3A_219 = arith.constant 0 : i32
    %dma_wait3A_220 = tpu.memref_slice %arg6[%dma_wait3A_217, %dma_wait3A_218, %dma_wait3A_219] : memref<2x1024x32xf32, #tpu.memory_space<vmem>> -> memref<1x1024x32xf32, #tpu.memory_space<vmem>>
    %dma_wait3A_221 = tpu.memref_squeeze %dma_wait3A_220 : memref<1x1024x32xf32, #tpu.memory_space<vmem>> -> memref<1024x32xf32, #tpu.memory_space<vmem>>
    %dma_wait3A_222 = arith.constant 9216 : i32
    %dma_wait3A_223 = tpu.memref_slice %arg5[%dma_wait3A_222] : memref<10240xi32, #tpu.memory_space<vmem>> -> memref<1024xi32, #tpu.memory_space<vmem>>
    %dma_wait3A_224 = arith.constant 0 : i32
    %dma_wait3A_225 = arith.constant 0 : i32
    %dma_wait3A_226 = tpu.memref_slice %arg3[%dma_wait3A_224, %dma_wait3A_225] : memref<1000000x32xf32, #tpu.memory_space<hbm>> -> memref<1000000x32xf32, #tpu.memory_space<hbm>>
    tpu.wait_indirect_dma semaphore(%arg8 : memref<!tpu.dma_semaphore, #tpu.memory_space<semaphore_mem>>) src(%dma_wait3A_226 : memref<1000000x32xf32, #tpu.memory_space<hbm>>) dst(%dma_wait3A_221 : memref<1024x32xf32, #tpu.memory_space<vmem>>)
    %add3A_227 = arith.constant 9216 : i32
    %add3A_228 = arith.addi %mul3A_2, %add3A_227 : i32
    %run_scoped3A_229 = arith.constant 1 : i32
    "tpu.region"() ({
      %run_scoped3A_230 = tpu.sem_alloc : memref<!tpu.dma_semaphore, #tpu.memory_space<semaphore_mem>>
      %dma_start3A_231 = arith.constant 0 : i32
      %dma_start3A_232 = arith.constant 0 : i32
      %dma_start3A_233 = tpu.memref_slice %arg6[%run_scoped3A_229, %dma_start3A_231, %dma_start3A_232] : memref<2x1024x32xf32, #tpu.memory_space<vmem>> -> memref<1x1024x32xf32, #tpu.memory_space<vmem>>
      %dma_start3A_234 = tpu.memref_squeeze %dma_start3A_233 : memref<1x1024x32xf32, #tpu.memory_space<vmem>> -> memref<1024x32xf32, #tpu.memory_space<vmem>>
      %dma_start3A_235 = arith.constant 0 : i32
      %dma_start3A_236 = tpu.memref_slice %arg4[%add3A_228, %dma_start3A_235] : memref<327680x32xf32, #tpu.memory_space<hbm>> -> memref<1024x32xf32, #tpu.memory_space<hbm>>
      %dma_start3A_237 = arith.constant 0 : i32
      %dma_start3A_238 = tpu.memref_slice %arg4[%add3A_228, %dma_start3A_237] : memref<327680x32xf32, #tpu.memory_space<hbm>> -> memref<1024x32xf32, #tpu.memory_space<hbm>>
      %dma_start3A_239 = arith.constant 0 : i32
      %dma_start3A_240 = arith.constant 0 : i32
      %dma_start3A_241 = tpu.memref_slice %arg6[%run_scoped3A_229, %dma_start3A_239, %dma_start3A_240] : memref<2x1024x32xf32, #tpu.memory_space<vmem>> -> memref<1x1024x32xf32, #tpu.memory_space<vmem>>
      %dma_start3A_242 = tpu.memref_squeeze %dma_start3A_241 : memref<1x1024x32xf32, #tpu.memory_space<vmem>> -> memref<1024x32xf32, #tpu.memory_space<vmem>>
      tpu.enqueue_dma source(%dma_start3A_242 : memref<1024x32xf32, #tpu.memory_space<vmem>>) target(%dma_start3A_238 : memref<1024x32xf32, #tpu.memory_space<hbm>>) target_semaphore(%run_scoped3A_230 : memref<!tpu.dma_semaphore, #tpu.memory_space<semaphore_mem>>)
      %dma_wait3A_243 = arith.constant 0 : i32
      %dma_wait3A_244 = arith.constant 0 : i32
      %dma_wait3A_245 = tpu.memref_slice %arg6[%run_scoped3A_229, %dma_wait3A_243, %dma_wait3A_244] : memref<2x1024x32xf32, #tpu.memory_space<vmem>> -> memref<1x1024x32xf32, #tpu.memory_space<vmem>>
      %dma_wait3A_246 = tpu.memref_squeeze %dma_wait3A_245 : memref<1x1024x32xf32, #tpu.memory_space<vmem>> -> memref<1024x32xf32, #tpu.memory_space<vmem>>
      %dma_wait3A_247 = arith.constant 0 : i32
      %dma_wait3A_248 = tpu.memref_slice %arg4[%add3A_228, %dma_wait3A_247] : memref<327680x32xf32, #tpu.memory_space<hbm>> -> memref<1024x32xf32, #tpu.memory_space<hbm>>
      %dma_wait3A_249 = arith.constant 0 : i32
      %dma_wait3A_250 = tpu.memref_slice %arg4[%add3A_228, %dma_wait3A_249] : memref<327680x32xf32, #tpu.memory_space<hbm>> -> memref<1024x32xf32, #tpu.memory_space<hbm>>
      %dma_wait3A_251 = arith.constant 0 : i32
      %dma_wait3A_252 = arith.constant 0 : i32
      %dma_wait3A_253 = tpu.memref_slice %arg6[%run_scoped3A_229, %dma_wait3A_251, %dma_wait3A_252] : memref<2x1024x32xf32, #tpu.memory_space<vmem>> -> memref<1x1024x32xf32, #tpu.memory_space<vmem>>
      %dma_wait3A_254 = tpu.memref_squeeze %dma_wait3A_253 : memref<1x1024x32xf32, #tpu.memory_space<vmem>> -> memref<1024x32xf32, #tpu.memory_space<vmem>>
      tpu.wait_dma2 semaphore(%run_scoped3A_230 : memref<!tpu.dma_semaphore, #tpu.memory_space<semaphore_mem>>) src(%dma_wait3A_254 : memref<1024x32xf32, #tpu.memory_space<vmem>>) dst(%dma_wait3A_250 : memref<1024x32xf32, #tpu.memory_space<hbm>>)
      tpu.yield
    }) : () -> ()
    return
  }
}

</mosaic_0001>

<sc_bundles>
// kernel: kernel.3.cloned.1.call-start
scs
__scs_entry_jumppad:
0x0: {  	(pc) =	sbr.rel $0x88, $3  }
0x1: {  	(tag) =	ssettag $0x0;
	lr =	simm.s32 $0x1  }
0x2: {  	[smem:$0x3F9F] =	sst lr;
	_ =	strace $0xD0000000  }
0x3: {  	_ = 	snop  }
0x4: {  	_ = 	snop  }
0x5: {  	_ = 	snop  }
0x6: {  	_ = 	snop  }
0x7: {  	_ = 	snop  }
__scs_overlays_trampoline_lowered:
0x8: {  	[smem:$0x3FAE] =	sst s0  }
0x9: {  	[smem:$0x3FAF] =	sst s1  }
0xa: {  	[smem:$0x3FB0] =	sst s2  }
0xb: {  	[smem:$0x3FB1] =	sst s3  }
0xc: {  	[smem:$0x3FB2] =	sst s4  }
0xd: {  	[smem:$0x3FB3] =	sst s5  }
0xe: {  	[smem:$0x3FB4] =	sst s6  }
0xf: {  	[smem:$0x3FB5] =	sst s7  }
0x10: {  	[smem:$0x3FB6] =	sst s8  }
0x11: {  	[smem:$0x3FB7] =	sst s9;
	s0 =	simm.s32 @!p0 $0x0  }
0x12: {  	s1 =	sld [smem:$0x3F9D];
	s0 =	simm.s32 @p0 $0x1  }
0x13: {  	[smem:$0x3FB8] =	sst s0;
	s0 =	simm.s32 @!p1 $0x0  }
0x14: {  	s2 =	sld [smem:$0x3F9C];
	s0 =	simm.s32 @p1 $0x1  }
0x15: {  	[smem:$0x3FB9] =	sst s0;
	s0 =	simm.s32 @!p2 $0x0  }
0x16: {  	s3 =	sld [smem:$0x3FDB];
	s0 =	simm.s32 @p2 $0x1  }
0x17: {  	s4 =	simm.s32 $0x1BF5;
	[smem:$0x3FBB] =	sst s0  }
0x18: {  	s0 =	sld [smem:$0x3F9E];
	_ =	swait.ge [sflag:s4], $0x0  }
0x19: {  	s7 =	sld [smem:$0x3F9F]  }
0x1a: {  	s8 =	sadd.s32 $0xFFFFE003, lr  }
0x1b: {  	s9 =	sadd.s32 $0xFFFFFEF7, lr;
	s5 =	simm.s32 $0xFFFFFFFF;
	p2 =	slt.u32 s8, $0xFFFFF086  }
0x1c: {  	p1 =	slt.u32 s9, $0xF7A;
	s5 =	simm.s32 @!p2 $0x0  }
0x1d: {  	s5 =	simm.s32 @p1 $0x1;
	p0 =	seq.s32 s7, s2  }
0x1e: {  	s7 =	smul.u32 @!p0 $0xF7A, s2;
	p2 =	seq.s32 @!p0 s5, $0x0  }
0x1f: {  	s9 =	smul.u32 $0xF7A, s1;
	s8 =	simm.s32 @!p0 $0x1BF5;
	p2 =	por !p2, p0  }
0x20: {  	[sflag:s8] =	ssyncset.s32 @!p0 $0xFFFFF086;
	s6 =	sadd.s32 @!p0 s3, s7;
	s7 =	simm.s32 @!p0 $0x108  }
0x21: {  	s3 =	sadd.s32 s3, s9;
	s6 =	sadd.s32 @!p0 $0x88, s6;
	s7 =	simm.s32 @p2 $0x1082  }
0x22: {  	[simem:s7], [sflag:s8] =	dma.local @!p0 [hbm:s6], $0xF7A  }
0x23: {  	s9 =	sor.u32 $0xD0000000, s2;
	s6 =	simm.s32 $0x108;
	_ =	swait.ge @!p0 [sflag:s8], $0x0  }
0x24: {  	s3 =	sadd.s32 $0x88, s3;
	s6 =	simm.s32 @!p1 $0x1082;
	[sflag:s4] =	ssyncset.s32 $0xFFFFF086  }
0x25: {  	[simem:s6], [sflag:s4] =	dma.local [hbm:s3], $0xF7A  }
0x26: {  	[smem:$0x3F9F] =	sst s1;
	(tag) =	ssettag s2;
	_ =	strace s9  }
0x27: {  	s1 =	sld [smem:$0x3FAF]  }
0x28: {  	s2 =	sld [smem:$0x3FB0]  }
0x29: {  	s4 =	sld [smem:$0x3FB2]  }
0x2a: {  	p0 =	seq.s32 s5, $0x0;
	s5 =	sld [smem:$0x3FB3]  }
0x2b: {  	s6 =	sld [smem:$0x3FB4]  }
0x2c: {  	s7 =	sld [smem:$0x3FB5]  }
0x2d: {  	s3 =	simm.s32 $0x108;
	s8 =	sld [smem:$0x3FB6]  }
0x2e: {  	s3 =	simm.s32 @!p0 $0x1082;
	s9 =	sld [smem:$0x3FB7]  }
0x2f: {  	lr =	sadd.s32 s0, s3;
	s0 =	sld [smem:$0x3FAE]  }
0x30: {  	s3 =	sld [smem:$0x3FB1]  }
0x31: {  	[smem:$0x3FBA] =	sst s10  }
0x32: {  	s10 =	sld [smem:$0x3FB8];
	_ =	sdelay $0x3  }
0x33: {  	p0 =	seq.s32 s10, $0x1;
	s10 =	sld [smem:$0x3FBA];
	_ =	sdelay $0x3  }
0x34: {  	[smem:$0x3FBA] =	sst s10  }
0x35: {  	s10 =	sld [smem:$0x3FB9];
	_ =	sdelay $0x3  }
0x36: {  	p1 =	seq.s32 s10, $0x1;
	s10 =	sld [smem:$0x3FBA];
	_ =	sdelay $0x3  }
0x37: {  	[smem:$0x3FBA] =	sst s10  }
0x38: {  	s10 =	sld [smem:$0x3FBB]  }
0x39: {  	_ = 	snop;
	(pc) =	sbr.ind lr, $3  }
0x3a: {  	_ = 	snop  }
0x3b: {  	_ = 	snop  }
0x3c: {  	p2 =	seq.s32 s10, $0x1;
	s10 =	sld [smem:$0x3FBA]  }
0x3d: {  	_ =	shalt  }
0x3e: {  	_ =	shalt  }
0x3f: {  	_ =	shalt  }
0x40: {  	_ =	shalt  }
0x41: {  	_ =	shalt  }
0x42: {  	_ =	shalt  }
0x43: {  	_ =	shalt  }
0x44: {  	_ =	shalt  }
0x45: {  	_ =	shalt  }
0x46: {  	_ =	shalt  }
0x47: {  	_ =	shalt  }
0x48: {  	_ =	shalt  }
0x49: {  	_ =	shalt  }
0x4a: {  	_ =	shalt  }
0x4b: {  	_ =	shalt  }
0x4c: {  	_ =	shalt  }
0x4d: {  	_ =	shalt  }
0x4e: {  	_ =	shalt  }
0x4f: {  	_ =	shalt  }
0x50: {  	_ =	shalt  }
0x51: {  	_ =	shalt  }
0x52: {  	_ =	shalt  }
0x53: {  	_ =	shalt  }
0x54: {  	_ =	shalt  }
0x55: {  	_ =	shalt  }
0x56: {  	_ =	shalt  }
0x57: {  	_ =	shalt  }
0x58: {  	_ =	shalt  }
0x59: {  	_ =	shalt  }
0x5a: {  	_ =	shalt  }
0x5b: {  	_ =	shalt  }
0x5c: {  	_ =	shalt  }
0x5d: {  	_ =	shalt  }
0x5e: {  	_ =	shalt  }
0x5f: {  	_ =	shalt  }
0x60: {  	_ =	shalt  }
0x61: {  	_ =	shalt  }
0x62: {  	_ =	shalt  }
0x63: {  	_ =	shalt  }
0x64: {  	_ =	shalt  }
0x65: {  	_ =	shalt  }
0x66: {  	_ =	shalt  }
0x67: {  	_ =	shalt  }
0x68: {  	_ =	shalt  }
0x69: {  	_ =	shalt  }
0x6a: {  	_ =	shalt  }
0x6b: {  	_ =	shalt  }
0x6c: {  	_ =	shalt  }
0x6d: {  	_ =	shalt  }
0x6e: {  	_ =	shalt  }
0x6f: {  	_ =	shalt  }
0x70: {  	_ =	shalt  }
0x71: {  	_ =	shalt  }
0x72: {  	_ =	shalt  }
0x73: {  	_ =	shalt  }
0x74: {  	_ =	shalt  }
0x75: {  	_ =	shalt  }
0x76: {  	_ =	shalt  }
0x77: {  	_ =	shalt  }
0x78: {  	_ =	shalt  }
0x79: {  	_ =	shalt  }
0x7a: {  	_ =	shalt  }
0x7b: {  	_ =	shalt  }
0x7c: {  	_ =	shalt  }
0x7d: {  	_ =	shalt  }
0x7e: {  	_ =	shalt  }
0x7f: {  	_ =	shalt  }
0x80: {  	_ =	shalt  }
0x81: {  	_ =	shalt  }
0x82: {  	_ =	shalt  }
0x83: {  	_ =	shalt  }
0x84: {  	_ =	shalt  }
0x85: {  	_ =	shalt  }
0x86: {  	_ =	shalt  }
0x87: {  	_ =	shalt  }
.Lfunc_end0:
.L_simem_size_0:
called_computation.1_lowered:
.L_overlay_start_0:
0x88: {  	s2 =	sld [smem:$0x3FD9]  }
0x89: {  	s3 =	sld [smem:$0x3FFE];
	_ =	sdelay $0x1  }
0x8a: {  	s1 =	srdreg.scid  }
0x8b: {  	s0 =	sand.u32 $0x1, s1  }
0x8c: {  	s17 =	sshll.u32 s0, $0xA;
	s2 =	sadd.s32 s3, s2  }
0x8d: {  	s2 =	sadd.s32 s2, s17  }
0x8e: {  	[smem:$0x3FC6] =	sst s2  }
0x8f: {  	_ = 	snop  }
0x90: {  	s2 =	sld [smem:$0x3FD0];
	(tm) =	ssettm $0x1  }
0x91: {  	s18 =	sld [smem:$0x3FFB];
	_ =	sdelay $0x3  }
0x92: {  	_ =	strace s18  }
0x93: {  	s3 =	sld [smem:$0x3FFC];
	_ =	sdelay $0x3  }
0x94: {  	_ =	strace s3  }
0x95: {  	s3 =	sld [smem:$0x3FFD];
	_ =	sdelay $0x3  }
0x96: {  	_ =	strace s3  }
0x97: {  	_ =	strace $0x8FFFFFFF  }
0x98: {  	s19 =	sld [smem:$0x3FDB];
	_ =	sdelay $0x1  }
0x99: {  	s4 =	simm.s32 $_scs_section_size  }
0x9a: {  	s5 =	simm.s32 $_size__tile_overlayer_lowered;
	s6 =	simm.s32 $_tile_overlayer_lowered  }
0x9b: {  	s22 =	simm.s32 $0x1BFF;
	s21 =	sshll.u32 s6, $0x1;
	s3 =	sadd.s32 s4, s19  }
0x9c: {  	s7 =	simm.s32 $0x0;
	s20 =	sshll.u32 s5, $0x1;
	s5 =	sadd.s32 s21, s3  }
0x9d: {  	[timem:s7], [sflag:s22] =	dma.local [hbm:s5], s20  }
0x9e: {  	_ =	swait.ge [sflag:s22], s20  }
0x9f: {  	s4 =	ssub.s32 $0x0, s20;
	[sflag:s22] =	ssyncset.done $0x0  }
0xa0: {  	[sflag:s22] =	ssyncadd.s32 s4;
	_ =	sdelay $0x1  }
0xa1: {  	s23 =	simm.s32 $0x1B8B  }
0xa2: {  	_ =	swait.ge [sflag:s23], $0x1  }
0xa3: {  	[sflag:s23] =	ssyncset.done $0x0  }
0xa4: {  	s25 =	simm.s32 $0x1B8E;
	s24 =	sld [smem:$0x3FFE];
	[sflag:s23] =	ssyncadd.s32 $0xFFFFFFFF  }
0xa5: {  	s26 =	simm.s32 $execute0_lowered;
	[smem:$0x3FD2] =	sst s25  }
0xa6: {  	s5 =	sshll.u32 s26, $0x1;
	_ =	strace $0x80000046;
	[dreg:$0x1] =	wrdreg $0xFFFFFFFF  }
0xa7: {  	s28 =	simm.s32 $_size_execute0_lowered;
	s3 =	sadd.s32 s3, s5;
	[dreg:$0x0] =	wrdreg $0x0  }
0xa8: {  	s5 =	sshll.u32 s28, $0x1;
	[dreg:$0x2] =	wrdreg s3  }
0xa9: {  	[dreg:$0x3] =	wrdreg s5  }
0xaa: {  	[dreg:$0x4] =	wrdreg $0xC0  }
0xab: {  	_ =	task [dreg:s7], $0x5FFFF  }
0xac: {  	[dreg:$0x1] =	wrdreg $0xFFFFFFFF  }
0xad: {  	[dreg:$0x0] =	wrdreg $0x60  }
0xae: {  	[dreg:$0x2] =	wrdreg s24  }
0xaf: {  	[dreg:$0x3] =	wrdreg s2  }
0xb0: {  	[dreg:$0x4] =	wrdreg $0x9  }
0xb1: {  	_ =	task.clear_ibuf [dreg:s7], $0x5FFFF;
	_ =	strace $0x90000046  }
0xb2: {  	s29 =	simm.s32 $0x9;
	_ =	strace $0x80000048  }
0xb3: {  	_ =	swait.ge [sflag:s29], $0x1  }
0xb4: {  	[sflag:s29] =	ssyncadd.s32 $0xFFFFFFFF  }
0xb5: {  	_ =	strace $0x90000048  }
0xb6: {  	_ =	sfence  }
0xb7: {  	s30 =	sld [smem:$0x0];
	_ =	sdelay $0x2  }
0xb8: {  	s31 =	sshll.u32 s1, $0xD;
	s1 =	sshrl.u32 s1, $0x2  }
0xb9: {  	s3 =	sand.u32 $0x4000, s31;
	s1 =	sadd.s32 s1, s30  }
0xba: {  	s0 =	sor.u32 s3, s0;
	s1 =	sshll.u32 s1, $0x11  }
0xbb: {  	s0 =	sor.u32 s1, s0  }
0xbc: {  	s0 =	sadd.s32 $0x8F2B, s0  }
0xbd: {  	[sflag:s0] =	ssyncadd.remote.s32 $0x1  }
0xbe: {  	_ =	sfence.sel $0xFFFF  }
0xbf: {  	[dreg:$0x0] =	wrdreg $0xFFFFFFFF;
	(pc) =	sbr.abs _section_cstart, $3  }
0xc0: {  	[dreg:$0x1] =	wrdreg $0xFFFFFFFF  }
0xc1: {  	_ =	task.clear_ibuf [dreg:s7], $0x2FFFF;
	_ =	strace $0x9FFFFFFF  }
0xc2: {  	(tm) =	ssettm $0x7FFFFFFF  }
0xc3: {  	_ =	shalt  }
tec
execute0_lowered:
.L_overlay_start_1:
0x0: {  	(tag) =	ssettag $0x1  }
0x1: {  	s1 =	srdreg.scid;
	s0 =	stileid.u32  }
0x2: {  	s29 =	sand.u32 $0x1, s1;
	s31 =	sshll.u32 s0, $0x1  }
0x3: {  	s5 =	rddreg [dreg:$0x0];
	s14 =	sor.u32 s29, s31  }
0x4: {  	s15 =	rddreg [dreg:$0x1];
	s3 =	smul.u32 $0x500, s14  }
0x5: {  	s2 =	simm.s32 $0x0;
	s1 =	rddreg [dreg:$0x2]  }
0x6: {  	[smem:$0x7FF] =	sst s2;
	s3 =	sadd.s32 s3, s5  }
0x7: {  	_ =	strace $0x80000047;
	s4 =	sadd.s32 $0xA00, s3;
	s3 =	simm.s32 $0x3  }
0x8: {  	[tilespmem:s2], [sflag:$0x3] =	stream.linear.gather [hbm4b:s4+s2], $0x2800, $0x38;
	[tilespmem:$0x12800] =	vst v63  }
0x9: {  	_ =	swait.ge [sflag:s3], $0x2800  }
0xa: {  	s6 =	simm.s32 $0x400;
	s7 =	simm.s32 $0x2800;
	[sflag:s3] =	ssyncset.done $0x0  }
0xb: {  	s8 =	simm.s32 $0x1;
	s5 =	sadd.s32 $0xF42E00, s5;
	[sflag:s3] =	ssyncadd.s32 $0xFFFFD800  }
0xc: {  	[tilespmem:s7], [sflag:$0x1] =	stream.indirect.gather [hbm4b:s5+s6], $0x20, s2, s6, $0xb8;
	[tilespmem:$0x12800] =	vst v63  }
0xd: {  	_ =	swait.ge [sflag:s8], $0x8000  }
0xe: {  	[sflag:s8] =	ssyncset.done $0x0  }
0xf: {  	s9 =	simm.s32 $0xA800;
	s10 =	smul.u32 $0xA000, s14;
	[sflag:s8] =	ssyncadd.s32 $0xFFFF8000  }
0x10: {  	[tilespmem:s9], [sflag:$0x2] =	stream.indirect.gather [hbm4b:s5+s6], $0x20, s6, s6, $0xb8;
	[tilespmem:$0x12800] =	vst v63  }
0x11: {  	s10 =	sadd.s32 s15, s10  }
0x12: {  	[hbm4b:s10+s2] =	stream.linear.scatter [tilespmem:s7], [sflag:$0x3], $0x8000, $0x38;
	[tilespmem:$0x12800] =	vst v63  }
0x13: {  	_ =	swait.ge [sflag:s3], $0x8000  }
0x14: {  	[sflag:s3] =	ssyncset.done $0x0  }
0x15: {  	s11 =	simm.s32 $0x2;
	[sflag:s3] =	ssyncadd.s32 $0xFFFF8000  }
0x16: {  	_ =	swait.ge [sflag:s11], $0x8000  }
0x17: {  	[sflag:s11] =	ssyncset.done $0x0  }
0x18: {  	s12 =	simm.s32 $0x800;
	[sflag:s11] =	ssyncadd.s32 $0xFFFF8000  }
0x19: {  	[tilespmem:s7], [sflag:$0x1] =	stream.indirect.gather [hbm4b:s5+s6], $0x20, s12, s6, $0xb8;
	[tilespmem:$0x12800] =	vst v63  }
0x1a: {  	s13 =	sadd.s32 $0x1000, s10  }
0x1b: {  	[hbm4b:s13+s2] =	stream.linear.scatter [tilespmem:s9], [sflag:$0x3], $0x8000, $0x38;
	[tilespmem:$0x12800] =	vst v63  }
0x1c: {  	_ =	swait.ge [sflag:s3], $0x8000  }
0x1d: {  	[sflag:s3] =	ssyncset.done $0x0  }
0x1e: {  	s14 =	smul.u32 $0x50000, s14;
	[sflag:s3] =	ssyncadd.s32 $0xFFFF8000  }
0x1f: {  	_ =	swait.ge [sflag:s8], $0x8000  }
0x20: {  	s14 =	sshrl.u32 s14, $0x3;
	[sflag:s8] =	ssyncset.done $0x0  }
0x21: {  	s30 =	sadd.s32 s15, s14;
	s14 =	simm.s32 $0xC00;
	[sflag:s8] =	ssyncadd.s32 $0xFFFF8000  }
0x22: {  	[tilespmem:s9], [sflag:$0x2] =	stream.indirect.gather [hbm4b:s5+s6], $0x20, s14, s6, $0xb8;
	[tilespmem:$0x12800] =	vst v63  }
0x23: {  	s15 =	sadd.s32 $0x2000, s30  }
0x24: {  	[hbm4b:s15+s2] =	stream.linear.scatter [tilespmem:s7], [sflag:$0x3], $0x8000, $0x38;
	[tilespmem:$0x12800] =	vst v63  }
0x25: {  	_ =	swait.ge [sflag:s3], $0x8000  }
0x26: {  	[sflag:s3] =	ssyncset.done $0x0  }
0x27: {  	[sflag:s3] =	ssyncadd.s32 $0xFFFF8000  }
0x28: {  	_ =	swait.ge [sflag:s11], $0x8000  }
0x29: {  	[sflag:s11] =	ssyncset.done $0x0  }
0x2a: {  	s16 =	simm.s32 $0x1000;
	[sflag:s11] =	ssyncadd.s32 $0xFFFF8000  }
0x2b: {  	[tilespmem:s7], [sflag:$0x1] =	stream.indirect.gather [hbm4b:s5+s6], $0x20, s16, s6, $0xb8;
	[tilespmem:$0x12800] =	vst v63  }
0x2c: {  	s17 =	sadd.s32 $0x3000, s30  }
0x2d: {  	[hbm4b:s17+s2] =	stream.linear.scatter [tilespmem:s9], [sflag:$0x3], $0x8000, $0x38;
	[tilespmem:$0x12800] =	vst v63  }
0x2e: {  	_ =	swait.ge [sflag:s3], $0x8000  }
0x2f: {  	[sflag:s3] =	ssyncset.done $0x0  }
0x30: {  	[sflag:s3] =	ssyncadd.s32 $0xFFFF8000  }
0x31: {  	_ =	swait.ge [sflag:s8], $0x8000  }
0x32: {  	[sflag:s8] =	ssyncset.done $0x0  }
0x33: {  	s18 =	simm.s32 $0x1400;
	[sflag:s8] =	ssyncadd.s32 $0xFFFF8000  }
0x34: {  	[tilespmem:s9], [sflag:$0x2] =	stream.indirect.gather [hbm4b:s5+s6], $0x20, s18, s6, $0xb8;
	[tilespmem:$0x12800] =	vst v63  }
0x35: {  	s19 =	sadd.s32 $0x4000, s30  }
0x36: {  	[hbm4b:s19+s2] =	stream.linear.scatter [tilespmem:s7], [sflag:$0x3], $0x8000, $0x38;
	[tilespmem:$0x12800] =	vst v63  }
0x37: {  	_ =	swait.ge [sflag:s3], $0x8000  }
0x38: {  	[sflag:s3] =	ssyncset.done $0x0  }
0x39: {  	[sflag:s3] =	ssyncadd.s32 $0xFFFF8000  }
0x3a: {  	_ =	swait.ge [sflag:s11], $0x8000  }
0x3b: {  	[sflag:s11] =	ssyncset.done $0x0  }
0x3c: {  	s20 =	simm.s32 $0x1800;
	[sflag:s11] =	ssyncadd.s32 $0xFFFF8000  }
0x3d: {  	[tilespmem:s7], [sflag:$0x1] =	stream.indirect.gather [hbm4b:s5+s6], $0x20, s20, s6, $0xb8;
	[tilespmem:$0x12800] =	vst v63  }
0x3e: {  	s21 =	sadd.s32 $0x5000, s30  }
0x3f: {  	[hbm4b:s21+s2] =	stream.linear.scatter [tilespmem:s9], [sflag:$0x3], $0x8000, $0x38;
	[tilespmem:$0x12800] =	vst v63  }
0x40: {  	_ =	swait.ge [sflag:s3], $0x8000  }
0x41: {  	[sflag:s3] =	ssyncset.done $0x0  }
0x42: {  	[sflag:s3] =	ssyncadd.s32 $0xFFFF8000  }
0x43: {  	_ =	swait.ge [sflag:s8], $0x8000  }
0x44: {  	[sflag:s8] =	ssyncset.done $0x0  }
0x45: {  	s22 =	simm.s32 $0x1C00;
	[sflag:s8] =	ssyncadd.s32 $0xFFFF8000  }
0x46: {  	[tilespmem:s9], [sflag:$0x2] =	stream.indirect.gather [hbm4b:s5+s6], $0x20, s22, s6, $0xb8;
	[tilespmem:$0x12800] =	vst v63  }
0x47: {  	s23 =	sadd.s32 $0x6000, s30  }
0x48: {  	[hbm4b:s23+s2] =	stream.linear.scatter [tilespmem:s7], [sflag:$0x3], $0x8000, $0x38;
	[tilespmem:$0x12800] =	vst v63  }
0x49: {  	_ =	swait.ge [sflag:s3], $0x8000  }
0x4a: {  	[sflag:s3] =	ssyncset.done $0x0  }
0x4b: {  	[sflag:s3] =	ssyncadd.s32 $0xFFFF8000  }
0x4c: {  	_ =	swait.ge [sflag:s11], $0x8000  }
0x4d: {  	[sflag:s11] =	ssyncset.done $0x0  }
0x4e: {  	s24 =	simm.s32 $0x2000;
	[sflag:s11] =	ssyncadd.s32 $0xFFFF8000  }
0x4f: {  	[tilespmem:s7], [sflag:$0x1] =	stream.indirect.gather [hbm4b:s5+s6], $0x20, s24, s6, $0xb8;
	[tilespmem:$0x12800] =	vst v63  }
0x50: {  	s25 =	sadd.s32 $0x7000, s30  }
0x51: {  	[hbm4b:s25+s2] =	stream.linear.scatter [tilespmem:s9], [sflag:$0x3], $0x8000, $0x38;
	[tilespmem:$0x12800] =	vst v63  }
0x52: {  	_ =	swait.ge [sflag:s3], $0x8000  }
0x53: {  	[sflag:s3] =	ssyncset.done $0x0  }
0x54: {  	[sflag:s3] =	ssyncadd.s32 $0xFFFF8000  }
0x55: {  	_ =	swait.ge [sflag:s8], $0x8000  }
0x56: {  	[sflag:s8] =	ssyncset.done $0x0  }
0x57: {  	s26 =	simm.s32 $0x2400;
	[sflag:s8] =	ssyncadd.s32 $0xFFFF8000  }
0x58: {  	[tilespmem:s9], [sflag:$0x2] =	stream.indirect.gather [hbm4b:s5+s6], $0x20, s26, s6, $0xb8;
	[tilespmem:$0x12800] =	vst v63  }
0x59: {  	s29 =	ssub.s32 $0x2, s29;
	s28 =	sadd.s32 $0x8000, s30  }
0x5a: {  	[hbm4b:s28+s2] =	stream.linear.scatter [tilespmem:s7], [sflag:$0x3], $0x8000, $0x38;
	[tilespmem:$0x12800] =	vst v63  }
0x5b: {  	s31 =	sshrl.u32 s29, $0x1;
	_ =	swait.ge [sflag:s3], $0x8000  }
0x5c: {  	s31 =	ssub.s32 s29, s31;
	[sflag:s3] =	ssyncset.done $0x0  }
0x5d: {  	s29 =	sadd.s32 $0x9000, s30;
	s30 =	smax.u32 s31, $0x1;
	[sflag:s3] =	ssyncadd.s32 $0xFFFF8000  }
0x5e: {  	p0 =	sne.s32 s30, $0x1;
	_ =	swait.ge [sflag:s11], $0x8000  }
.Ltmp0:
0x5f: {  	[sflag:s11] =	ssyncset.done $0x0;
	(pc) =	sbr.rel @!p0 .LBB2_2-.Ltmp0, $4  }
0x60: {  	[sflag:s11] =	ssyncadd.s32 $0xFFFF8000  }
0x61: {  	[hbm4b:s29+s2] =	stream.linear.scatter [tilespmem:s9], [sflag:$0x3], $0x8000, $0x38;
	[tilespmem:$0x12800] =	vst v63  }
0x62: {  	_ =	swait.ge [sflag:s3], $0x8000  }
0x63: {  	s30 =	sadd.s32 $0xFFFFFFFF, s30;
	[sflag:s3] =	ssyncset.done $0x0  }
.LBB2_1:
0x64: {  	p0 =	sne.s32 s30, $0x1;
	s30 =	sadd.s32 $0xFFFFFFFF, s30;
	[sflag:s3] =	ssyncadd.s32 $0xFFFF8000  }
0x65: {  	[tilespmem:s2], [sflag:$0x3] =	stream.linear.gather [hbm4b:s4+s2], $0x2800, $0x38;
	[tilespmem:$0x12800] =	vst v63  }
0x66: {  	_ =	swait.ge [sflag:s3], $0x2800  }
0x67: {  	[sflag:s3] =	ssyncset.done $0x0  }
0x68: {  	[sflag:s3] =	ssyncadd.s32 $0xFFFFD800  }
0x69: {  	[tilespmem:s7], [sflag:$0x1] =	stream.indirect.gather [hbm4b:s5+s6], $0x20, s2, s6, $0xb8;
	[tilespmem:$0x12800] =	vst v63  }
0x6a: {  	_ =	swait.ge [sflag:s8], $0x8000  }
0x6b: {  	[sflag:s8] =	ssyncset.done $0x0  }
0x6c: {  	[sflag:s8] =	ssyncadd.s32 $0xFFFF8000  }
0x6d: {  	[tilespmem:s9], [sflag:$0x2] =	stream.indirect.gather [hbm4b:s5+s6], $0x20, s6, s6, $0xb8;
	[tilespmem:$0x12800] =	vst v63  }
0x6e: {  	_ = 	snop  }
0x6f: {  	[hbm4b:s10+s2] =	stream.linear.scatter [tilespmem:s7], [sflag:$0x3], $0x8000, $0x38;
	[tilespmem:$0x12800] =	vst v63  }
0x70: {  	_ =	swait.ge [sflag:s3], $0x8000  }
0x71: {  	[sflag:s3] =	ssyncset.done $0x0  }
0x72: {  	[sflag:s3] =	ssyncadd.s32 $0xFFFF8000  }
0x73: {  	_ =	swait.ge [sflag:s11], $0x8000  }
0x74: {  	[sflag:s11] =	ssyncset.done $0x0  }
0x75: {  	[sflag:s11] =	ssyncadd.s32 $0xFFFF8000  }
0x76: {  	[tilespmem:s7], [sflag:$0x1] =	stream.indirect.gather [hbm4b:s5+s6], $0x20, s12, s6, $0xb8;
	[tilespmem:$0x12800] =	vst v63  }
0x77: {  	_ = 	snop  }
0x78: {  	[hbm4b:s13+s2] =	stream.linear.scatter [tilespmem:s9], [sflag:$0x3], $0x8000, $0x38;
	[tilespmem:$0x12800] =	vst v63  }
0x79: {  	_ =	swait.ge [sflag:s3], $0x8000  }
0x7a: {  	[sflag:s3] =	ssyncset.done $0x0  }
0x7b: {  	[sflag:s3] =	ssyncadd.s32 $0xFFFF8000  }
0x7c: {  	_ =	swait.ge [sflag:s8], $0x8000  }
0x7d: {  	[sflag:s8] =	ssyncset.done $0x0  }
0x7e: {  	[sflag:s8] =	ssyncadd.s32 $0xFFFF8000  }
0x7f: {  	[tilespmem:s9], [sflag:$0x2] =	stream.indirect.gather [hbm4b:s5+s6], $0x20, s14, s6, $0xb8;
	[tilespmem:$0x12800] =	vst v63  }
0x80: {  	_ = 	snop  }
0x81: {  	[hbm4b:s15+s2] =	stream.linear.scatter [tilespmem:s7], [sflag:$0x3], $0x8000, $0x38;
	[tilespmem:$0x12800] =	vst v63  }
0x82: {  	_ =	swait.ge [sflag:s3], $0x8000  }
0x83: {  	[sflag:s3] =	ssyncset.done $0x0  }
0x84: {  	[sflag:s3] =	ssyncadd.s32 $0xFFFF8000  }
0x85: {  	_ =	swait.ge [sflag:s11], $0x8000  }
0x86: {  	[sflag:s11] =	ssyncset.done $0x0  }
0x87: {  	[sflag:s11] =	ssyncadd.s32 $0xFFFF8000  }
0x88: {  	[tilespmem:s7], [sflag:$0x1] =	stream.indirect.gather [hbm4b:s5+s6], $0x20, s16, s6, $0xb8;
	[tilespmem:$0x12800] =	vst v63  }
0x89: {  	_ = 	snop  }
0x8a: {  	[hbm4b:s17+s2] =	stream.linear.scatter [tilespmem:s9], [sflag:$0x3], $0x8000, $0x38;
	[tilespmem:$0x12800] =	vst v63  }
0x8b: {  	_ =	swait.ge [sflag:s3], $0x8000  }
0x8c: {  	[sflag:s3] =	ssyncset.done $0x0  }
0x8d: {  	[sflag:s3] =	ssyncadd.s32 $0xFFFF8000  }
0x8e: {  	_ =	swait.ge [sflag:s8], $0x8000  }
0x8f: {  	[sflag:s8] =	ssyncset.done $0x0  }
0x90: {  	[sflag:s8] =	ssyncadd.s32 $0xFFFF8000  }
0x91: {  	[tilespmem:s9], [sflag:$0x2] =	stream.indirect.gather [hbm4b:s5+s6], $0x20, s18, s6, $0xb8;
	[tilespmem:$0x12800] =	vst v63  }
0x92: {  	_ = 	snop  }
0x93: {  	[hbm4b:s19+s2] =	stream.linear.scatter [tilespmem:s7], [sflag:$0x3], $0x8000, $0x38;
	[tilespmem:$0x12800] =	vst v63  }
0x94: {  	_ =	swait.ge [sflag:s3], $0x8000  }
0x95: {  	[sflag:s3] =	ssyncset.done $0x0  }
0x96: {  	[sflag:s3] =	ssyncadd.s32 $0xFFFF8000  }
0x97: {  	_ =	swait.ge [sflag:s11], $0x8000  }
0x98: {  	[sflag:s11] =	ssyncset.done $0x0  }
0x99: {  	[sflag:s11] =	ssyncadd.s32 $0xFFFF8000  }
0x9a: {  	[tilespmem:s7], [sflag:$0x1] =	stream.indirect.gather [hbm4b:s5+s6], $0x20, s20, s6, $0xb8;
	[tilespmem:$0x12800] =	vst v63  }
0x9b: {  	_ = 	snop  }
0x9c: {  	[hbm4b:s21+s2] =	stream.linear.scatter [tilespmem:s9], [sflag:$0x3], $0x8000, $0x38;
	[tilespmem:$0x12800] =	vst v63  }
0x9d: {  	_ =	swait.ge [sflag:s3], $0x8000  }
0x9e: {  	[sflag:s3] =	ssyncset.done $0x0  }
0x9f: {  	[sflag:s3] =	ssyncadd.s32 $0xFFFF8000  }
0xa0: {  	_ =	swait.ge [sflag:s8], $0x8000  }
0xa1: {  	[sflag:s8] =	ssyncset.done $0x0  }
0xa2: {  	[sflag:s8] =	ssyncadd.s32 $0xFFFF8000  }
0xa3: {  	[tilespmem:s9], [sflag:$0x2] =	stream.indirect.gather [hbm4b:s5+s6], $0x20, s22, s6, $0xb8;
	[tilespmem:$0x12800] =	vst v63  }
0xa4: {  	_ = 	snop  }
0xa5: {  	[hbm4b:s23+s2] =	stream.linear.scatter [tilespmem:s7], [sflag:$0x3], $0x8000, $0x38;
	[tilespmem:$0x12800] =	vst v63  }
0xa6: {  	_ =	swait.ge [sflag:s3], $0x8000  }
0xa7: {  	[sflag:s3] =	ssyncset.done $0x0  }
0xa8: {  	[sflag:s3] =	ssyncadd.s32 $0xFFFF8000  }
0xa9: {  	_ =	swait.ge [sflag:s11], $0x8000  }
0xaa: {  	[sflag:s11] =	ssyncset.done $0x0  }
0xab: {  	[sflag:s11] =	ssyncadd.s32 $0xFFFF8000  }
0xac: {  	[tilespmem:s7], [sflag:$0x1] =	stream.indirect.gather [hbm4b:s5+s6], $0x20, s24, s6, $0xb8;
	[tilespmem:$0x12800] =	vst v63  }
0xad: {  	_ = 	snop  }
0xae: {  	[hbm4b:s25+s2] =	stream.linear.scatter [tilespmem:s9], [sflag:$0x3], $0x8000, $0x38;
	[tilespmem:$0x12800] =	vst v63  }
0xaf: {  	_ =	swait.ge [sflag:s3], $0x8000  }
0xb0: {  	[sflag:s3] =	ssyncset.done $0x0  }
0xb1: {  	[sflag:s3] =	ssyncadd.s32 $0xFFFF8000  }
0xb2: {  	_ =	swait.ge [sflag:s8], $0x8000  }
0xb3: {  	[sflag:s8] =	ssyncset.done $0x0  }
0xb4: {  	[sflag:s8] =	ssyncadd.s32 $0xFFFF8000  }
0xb5: {  	[tilespmem:s9], [sflag:$0x2] =	stream.indirect.gather [hbm4b:s5+s6], $0x20, s26, s6, $0xb8;
	[tilespmem:$0x12800] =	vst v63  }
0xb6: {  	_ = 	snop  }
0xb7: {  	[hbm4b:s28+s2] =	stream.linear.scatter [tilespmem:s7], [sflag:$0x3], $0x8000, $0x38;
	[tilespmem:$0x12800] =	vst v63  }
0xb8: {  	_ =	swait.ge [sflag:s3], $0x8000  }
0xb9: {  	[sflag:s3] =	ssyncset.done $0x0  }
0xba: {  	[sflag:s3] =	ssyncadd.s32 $0xFFFF8000  }
0xbb: {  	_ =	swait.ge [sflag:s11], $0x8000  }
.Ltmp1:
0xbc: {  	[sflag:s11] =	ssyncset.done $0x0;
	(pc) =	sbr.rel @p0 .LBB2_1-.Ltmp1, $4  }
0xbd: {  	[sflag:s11] =	ssyncadd.s32 $0xFFFF8000  }
0xbe: {  	[hbm4b:s29+s2] =	stream.linear.scatter [tilespmem:s9], [sflag:$0x3], $0x8000, $0x38;
	[tilespmem:$0x12800] =	vst v63  }
0xbf: {  	_ =	swait.ge [sflag:s3], $0x8000  }
0xc0: {  	[sflag:s3] =	ssyncset.done $0x0  }
.LBB2_2:
0xc1: {  	[sflag:s3] =	ssyncadd.s32 $0xFFFF8000  }
0xc2: {  	_ =	sfence.sel $0x180000  }
0xc3: {  	[bflag:$0x0] =	sbarrier.arrive $0xFFFF  }
0xc4: {  	p0 =	sne.s32 s0, $0x0;
	_ =	strace $0x90000047  }
0xc5: {  	s0 =	sadd.s32 @!p0 $0x100000, s1;
	[bflag:$0x2] =	sbarrier.arrive $0xFFFF  }
0xc6: {  	[sflag:s0] =	ssyncadd.tile.s32 @!p0 $0x1;
	_ =	shalt  }
.Lfunc_end2:
_tile_overlayer_lowered:
.L_overlay_start_2:
0xc7: {  	(tag) =	ssettag $0x2  }
0xc8: {  	s0 =	rddreg [dreg:$0x0];
	s2 =	stileid.u32  }
0xc9: {  	s1 =	rddreg [dreg:$0x1];
	p0 =	sne.s32 s2, $0x0  }
0xca: {  	s3 =	rddreg [dreg:$0x2];
	[bflag:$0x3] =	sbarrier.arrive $0xFFFF;
	s2 =	simm.s32 @!p0 $0x1C03  }
0xcb: {  	[timem:s3], [sflag:s2] =	dma.local @!p0 [hbm:s0], s1  }
0xcc: {  	s0 =	simm.s32 @!p0 $0x3  }
0xcd: {  	_ =	swait.ge @!p0 [sflag:s0], s1  }
0xce: {  	s1 =	ssub.s32 @!p0 $0x0, s1;
	[sflag:s0] =	ssyncset.done @!p0 $0x0  }
0xcf: {  	[sflag:s0] =	ssyncadd.s32 @!p0 s1  }
0xd0: {  	[bflag:$0x3] =	sbarrier.arrive $0xFFFF  }
0xd1: {  	_ =	shalt  }

// kernel: sparse-core-data-format-call.cloned.1.call-start
scs
called_computation_lowered:
.L_overlay_start_0:
0x0: {  	s2 =	sld [smem:$0x3FD9]  }
0x1: {  	s3 =	sld [smem:$0x3FFE];
	_ =	sdelay $0x1  }
0x2: {  	s1 =	srdreg.scid  }
0x3: {  	s0 =	sand.u32 $0x1, s1  }
0x4: {  	s18 =	sshll.u32 s0, $0xA;
	s2 =	sadd.s32 s3, s2  }
0x5: {  	s2 =	sadd.s32 s2, s18  }
0x6: {  	[smem:$0x3FC6] =	sst s2  }
0x7: {  	_ = 	snop  }
0x8: {  	s2 =	sld [smem:$0x3FD0];
	(tm) =	ssettm $0x1  }
0x9: {  	s19 =	sld [smem:$0x3FFB];
	_ =	sdelay $0x3  }
0xa: {  	_ =	strace s19  }
0xb: {  	s3 =	sld [smem:$0x3FFC];
	_ =	sdelay $0x3  }
0xc: {  	_ =	strace s3  }
0xd: {  	s3 =	sld [smem:$0x3FFD];
	_ =	sdelay $0x3  }
0xe: {  	_ =	strace s3  }
0xf: {  	_ =	strace $0x8FFFFFFF  }
0x10: {  	s20 =	sld [smem:$0x3FDB];
	_ =	sdelay $0x1  }
0x11: {  	s4 =	simm.s32 $_scs_section_size  }
0x12: {  	s5 =	simm.s32 $_size__tile_overlayer_lowered;
	s6 =	simm.s32 $_tile_overlayer_lowered  }
0x13: {  	s23 =	simm.s32 $0x1BFF;
	s22 =	sshll.u32 s6, $0x1;
	s3 =	sadd.s32 s4, s20  }
0x14: {  	s7 =	simm.s32 $0x0;
	s21 =	sshll.u32 s5, $0x1;
	s5 =	sadd.s32 s22, s3  }
0x15: {  	[timem:s7], [sflag:s23] =	dma.local [hbm:s5], s21  }
0x16: {  	_ =	swait.ge [sflag:s23], s21  }
0x17: {  	s4 =	ssub.s32 $0x0, s21;
	[sflag:s23] =	ssyncset.done $0x0  }
0x18: {  	[sflag:s23] =	ssyncadd.s32 s4;
	_ =	sdelay $0x1  }
0x19: {  	s24 =	simm.s32 $0x1B8B  }
0x1a: {  	_ =	swait.ge [sflag:s24], $0x1  }
0x1b: {  	[sflag:s24] =	ssyncset.done $0x0  }
0x1c: {  	s26 =	simm.s32 $0x1B8E;
	s25 =	sld [smem:$0x3FFE];
	[sflag:s24] =	ssyncadd.s32 $0xFFFFFFFF  }
0x1d: {  	s27 =	simm.s32 $execute0_lowered;
	[smem:$0x3FD2] =	sst s26  }
0x1e: {  	s5 =	sshll.u32 s27, $0x1;
	_ =	strace $0x80000049;
	[dreg:$0x1] =	wrdreg $0xFFFFFFFF  }
0x1f: {  	s28 =	simm.s32 $_size_execute0_lowered;
	s3 =	sadd.s32 s3, s5;
	[dreg:$0x0] =	wrdreg $0x0  }
0x20: {  	s5 =	sshll.u32 s28, $0x1;
	[dreg:$0x2] =	wrdreg s3  }
0x21: {  	[dreg:$0x3] =	wrdreg s5  }
0x22: {  	[dreg:$0x4] =	wrdreg $0xC0  }
0x23: {  	_ =	task [dreg:s7], $0x5FFFF  }
0x24: {  	[dreg:$0x1] =	wrdreg $0xFFFFFFFF  }
0x25: {  	[dreg:$0x0] =	wrdreg $0x60  }
0x26: {  	[dreg:$0x2] =	wrdreg s25  }
0x27: {  	[dreg:$0x3] =	wrdreg s2  }
0x28: {  	[dreg:$0x4] =	wrdreg $0x9  }
0x29: {  	_ =	task.clear_ibuf [dreg:s7], $0x5FFFF;
	_ =	strace $0x90000049  }
0x2a: {  	s29 =	simm.s32 $0x9;
	_ =	strace $0x8000004B  }
0x2b: {  	_ =	swait.ge [sflag:s29], $0x1  }
0x2c: {  	[sflag:s29] =	ssyncadd.s32 $0xFFFFFFFF  }
0x2d: {  	_ =	strace $0x9000004B  }
0x2e: {  	_ =	sfence  }
0x2f: {  	s30 =	sld [smem:$0x0];
	_ =	sdelay $0x2  }
0x30: {  	s31 =	sshll.u32 s1, $0xD;
	s1 =	sshrl.u32 s1, $0x2  }
0x31: {  	s3 =	sand.u32 $0x4000, s31;
	s1 =	sadd.s32 s1, s30  }
0x32: {  	s0 =	sor.u32 s3, s0;
	s1 =	sshll.u32 s1, $0x11  }
0x33: {  	s0 =	sor.u32 s1, s0  }
0x34: {  	s0 =	sadd.s32 $0x8F2B, s0  }
0x35: {  	[sflag:s0] =	ssyncadd.remote.s32 $0x1  }
0x36: {  	_ =	sfence.sel $0xFFFF  }
0x37: {  	[dreg:$0x0] =	wrdreg $0xFFFFFFFF;
	(pc) =	sbr.abs _section_cstart, $3  }
0x38: {  	[dreg:$0x1] =	wrdreg $0xFFFFFFFF  }
0x39: {  	_ =	task.clear_ibuf [dreg:s7], $0x2FFFF;
	_ =	strace $0x9FFFFFFF  }
0x3a: {  	(tm) =	ssettm $0x7FFFFFFF  }
0x3b: {  	_ =	shalt  }
tec
execute0_lowered:
.L_overlay_start_1:
0x0: {  	(tag) =	ssettag $0x1  }
0x1: {  	s0 =	srdreg.scid  }
0x2: {  	s1 =	sshll.u32 s0, $0x4  }
0x3: {  	s0 =	stileid.u32;
	s1 =	sand.u32 $0x10, s1  }
0x4: {  	s1 =	sor.u32 s0, s1  }
0x5: {  	s6 =	rddreg [dreg:$0x0];
	s4 =	simm.s32 $0x1;
	s2 =	sshll.u32 s1, $0x7  }
0x6: {  	s7 =	simm.s32 $0x2;
	s12 =	simm.s32 $0x0;
	s1 =	ssub.s32 $0x4000, s2  }
0x7: {  	s8 =	simm.s32 $0x20000;
	s13 =	simm.s32 $0x0;
	s3 =	sand.u32 $0xF80, s1  }
0x8: {  	s9 =	simm.s32 $0x0;
	s5 =	sshrl.u32 s1, $0xC;
	p0 =	sne.s32 s3, $0x0  }
.Ltmp0:
0x9: {  	s1 =	rddreg [dreg:$0x2];
	s4 =	simm.s32 @!p0 $0x0;
	(pc) =	sbr.rel .LBB1_1-.Ltmp0, $4  }
0xa: {  	s11 =	simm.s32 $0x0;
	s3 =	rddreg [dreg:$0x1];
	s5 =	sadd.s32 s4, s5  }
0xb: {  	_ =	strace $0x8000004A;
	s4 =	simm.s32 $0x1;
	s5 =	smul.u32 $0x14, s5  }
0xc: {  	s6 =	sadd.s32 $0xA00, s6;
	s10 =	smov.u32 s2;
	[sflag:s4] =	ssyncpa.u1 $0x0  }
0xd: {  	p0 =	por $0x0, $0x0;
	[sflag:s7] =	ssyncpa.u1 $0x0;
	s7 =	sor.u32 $0x1, s5  }
.LBB1_4:
0xe: {  	s16 =	sshll.u32 s13, $0x3;
	s17 =	sand.u32 $0x78, s13  }
0xf: {  	s30 =	sand.u32 $0xF800, s13;
	s12 =	sshll.u32 s12, $0x10;
	s16 =	sand.u32 $0x3C00, s16  }
0x10: {  	s31 =	sand.u32 $0x7, s13;
	s16 =	sor.u32 s17, s16;
	s17 =	sadd.s32 s3, s30  }
0x11: {  	s13 =	sshll.u32 s31, $0x12;
	s16 =	sshrl.u32 s16, $0x3;
	s12 =	sadd.s32 s12, s17  }
0x12: {  	[tilespmem:s15+$0x0 ss:$0x81] =	vst.msk $0xffff, v0;
	s13 =	sor.u32 $0x400, s13;
	s12 =	sadd.s32 s16, s12  }
0x13: {  	[hbm4b:s12+s13] =	stream.strided.scatter [tilespmem:s14], [sflag:$0x2], $0x1000, s8, s13, $0x20;
	[tilespmem:$0x4040] =	vst v63  }
.LBB1_5:
0x14: {  	s14 =	sadd.s32 $0x1, s9  }
0x15: {  	s12 =	sadd.s32 $0x1000, s10;
	s16 =	smov.u32 s10;
	p2 =	sgt.s32 s14, $0x13  }
0x16: {  	s16 =	smov.u32 @p2 s12  }
0x17: {  	s14 =	simm.s32 @p2 $0x0;
	p2 =	sgt.s32 s16, $0x3FFF  }
0x18: {  	s16 =	smov.u32 @p2 s2;
	p2 =	sne.s32 s11, s7  }
.Ltmp1:
0x19: {  	p1 =	slt.u32 s11, $0x2;
	(pc) =	sbr.rel @!p2 .LBB1_6-.Ltmp1, $4  }
0x1a: {  	s15 =	simm.s32 @!p1 $0x2  }
0x1b: {  	s13 =	smov.u32 s10;
	p0 =	por !p0, !p0;
	_ =	swait.ge @!p1 [sflag:s15], $0x1000  }
0x1c: {  	s12 =	smov.u32 s9;
	[sflag:s15] =	ssyncset.done @!p1 $0x0;
	s9 =	smov.u32 s14  }
0x1d: {  	s11 =	sadd.s32 $0x1, s11;
	[sflag:s15] =	ssyncadd.s32 @!p1 $0xFFFFF000;
	s10 =	smov.u32 s16  }
.LBB1_1:
0x1e: {  	p1 =	sge.u32 s11, s5  }
0x1f: {  	s14 =	sand.u32 @!p1 $0x1FFFFFF, s9  }
0x20: {  	s15 =	smulhi.u32 @!p1 $0xAAAAAAB, s14;
	_ =	sdelay $0x1  }
0x21: {  	s15 =	smul.u32 @!p1 $0x18, s15  }
0x22: {  	s16 =	sxor.u32 @!p1 $0xFFFFFFFF, s11;
	s17 =	smul.u32 @!p1 $0x180, s10  }
0x23: {  	s31 =	sadd.s32 $0xFFFFFFFF, s11;
	s16 =	sshll.u32 @!p1 s16, $0xC;
	s14 =	ssub.s32 @!p1 s14, s15  }
0x24: {  	s15 =	sand.u32 @!p1 $0x1000, s16;
	s16 =	sadd.s32 @!p1 s6, s17;
	s14 =	sshll.u32 @!p1 s14, $0x4  }
0x25: {  	s17 =	simm.s32 @!p1 $0xC00;
	s14 =	sadd.s32 @!p1 s14, s16;
	s16 =	simm.s32 @!p1 $0x20  }
0x26: {  	[tilespmem:s15], [sflag:$0x1] =	stream.strided.gather @!p1 [hbm4b:s14+s16], $0x1000, s17, s16, $0x38;
	[tilespmem:$0x4040] =	vst v63  }
0x27: {  	p1 =	sge.u32 s31, s5  }
.Ltmp2:
0x28: {  	_ = 	snop;
	(pc) =	sbr.rel @p1 .LBB1_5-.Ltmp2, $1  }
0x29: {  	_ =	sdelay $0x3  }
0x2a: {  	s14 =	simm.s32 $0x1  }
0x2b: {  	_ =	swait.ge [sflag:s4], $0x1000;
	s14 =	simm.s32 @!p0 $0x0  }
0x2c: {  	[sflag:s4] =	ssyncset.done $0x0;
	s15 =	sshll.u32 s14, $0xC  }
0x2d: {  	[sflag:s4] =	ssyncadd.s32 $0xFFFFF000;
	s18 =	sor.u32 $0x10, s15  }
0x2e: {  	s14 =	smul.u32 $0x4080, s14;
	v1 =	vld [tilespmem:s18+$0x0]  }
0x2f: {  	s30 =	sand.u32 $0x1, s11;
	v0 =	vld [tilespmem:s18+$0xFFFFFFF0]  }
0x30: {  	s15 =	smul.u32 $0x4080, s30;
	s14 =	sshrl.u32 s14, $0x2  }
0x31: {  	s16 =	sor.u32 $0x2000, s14  }
0x32: {  	s31 =	sshrl.u32 s15, $0x2;
	s15 =	sadd.s32 $0x0, s16  }
0x33: {  	s17 =	simm.s32 $0x4;
	s18 =	sadd.s32 $0x20, s18;
	s14 =	sor.u32 $0x2000, s31;
	[tilespmem:s15+$0x810 ss:$0x81] =	vst.msk $0xffff, v1  }
.LBB1_3:
0x34: {  	v1 =	vld [tilespmem:s18+$0x0];
	p1 =	sne.s32 s17, $0x1FC;
	[tilespmem:s15+$0x0 ss:$0x81] =	vst.msk $0xffff, v0;
	s15 =	smov.u32 s17;
	s17 =	sadd.s32 $0x4, s17  }
.Ltmp3:
0x35: {  	v0 =	vld [tilespmem:s18+$0xFFFFFFF0];
	(pc) =	sbr.rel @p1 .LBB1_3-.Ltmp3, $4  }
0x36: {  	_ = 	snop  }
0x37: {  	s15 =	sshra.s32 s15, $0x2  }
0x38: {  	s15 =	sadd.s32 s15, s16  }
0x39: {  	s18 =	sadd.s32 $0x20, s18;
	[tilespmem:s15+$0x810 ss:$0x81] =	vst.msk $0xffff, v1  }
.Ltmp4:
0x3a: {  	_ = 	snop;
	(pc) =	sbr.rel .LBB1_4-.Ltmp4, $1  }
0x3b: {  	_ =	sdelay $0x3  }
.LBB1_6:
0x3c: {  	_ =	sfence.sel $0x180000  }
0x3d: {  	s2 =	simm.s32 $0x1;
	[bflag:$0x0] =	sbarrier.arrive $0xFFFF  }
0x3e: {  	s31 =	simm.s32 $0x2;
	[sflag:s2] =	ssyncpa.u1 $0x1  }
0x3f: {  	[sflag:s31] =	ssyncpa.u1 $0x1  }
0x40: {  	p0 =	sne.s32 s0, $0x0;
	_ =	strace $0x9000004A  }
0x41: {  	s0 =	sadd.s32 @!p0 $0x100000, s1;
	[bflag:$0x2] =	sbarrier.arrive $0xFFFF  }
0x42: {  	[sflag:s0] =	ssyncadd.tile.s32 @!p0 $0x1;
	_ =	shalt  }
.Lfunc_end1:
_tile_overlayer_lowered:
.L_overlay_start_2:
0x43: {  	(tag) =	ssettag $0x2  }
0x44: {  	s0 =	rddreg [dreg:$0x0];
	s2 =	stileid.u32  }
0x45: {  	s1 =	rddreg [dreg:$0x1];
	p0 =	sne.s32 s2, $0x0  }
0x46: {  	s3 =	rddreg [dreg:$0x2];
	[bflag:$0x3] =	sbarrier.arrive $0xFFFF;
	s2 =	simm.s32 @!p0 $0x1C01  }
0x47: {  	[timem:s3], [sflag:s2] =	dma.local @!p0 [hbm:s0], s1  }
0x48: {  	s0 =	simm.s32 @!p0 $0x1  }
0x49: {  	_ =	swait.ge @!p0 [sflag:s0], s1  }
0x4a: {  	s1 =	ssub.s32 @!p0 $0x0, s1;
	[sflag:s0] =	ssyncset.done @!p0 $0x0  }
0x4b: {  	[sflag:s0] =	ssyncadd.s32 @!p0 s1  }
0x4c: {  	[bflag:$0x3] =	sbarrier.arrive $0xFFFF  }
0x4d: {  	_ =	shalt  }

</sc_bundles>
